<compile_context>
chip_gen: v7x
topology: tpu7x:2x2x1
jax: 0.10.2.dev20260603
libtpu: 0.0.44.dev20260713+nightly
codegen_flags: <defaults>
</compile_context>

<pallas_src>
import functools
import jax
import jax.numpy as jnp
from jax import lax
from jax.experimental import pallas as pl
from jax.experimental.pallas import tpu as pltpu
from jax.experimental.pallas import tpu_sc as plsc

B, N, M, CC, CP, COUT = 8, 8192, 1024, 256, 256, 256
CIN = CC + CP
KBN = 1024
KNB = N // KBN
BN = 512
NB = N // BN

NW = 32
PPW = (B * N) // NW
G = 64
NG = PPW // G


def _knn_kernel(pc_ref, ccT_ref, idx_ref, w_ref):
    b_i = pl.program_id(0)

    c3 = ccT_ref[0]
    p = pc_ref[0]
    p2 = jnp.zeros((1, KBN), jnp.float32)
    c2 = jnp.zeros((M, 1), jnp.float32)
    cross = jnp.zeros((M, KBN), jnp.float32)
    for d in range(3):
        cd = c3[:, d:d + 1]
        pd = p[d:d + 1, :]
        p2 = p2 + pd * pd
        c2 = c2 + cd * cd
        cdb = cd.astype(jnp.bfloat16).astype(jnp.float32)
        pdb = pd.astype(jnp.bfloat16).astype(jnp.float32)
        cross = cross + cdb * pdb
    d2 = jnp.maximum((p2 + c2) - 2.0 * cross, 0.0)

    iota_m = jax.lax.broadcasted_iota(jnp.int32, (M, KBN), 0)
    inf = jnp.float32(3.0e38)
    cur = d2
    ids = []
    wks = []
    for k in range(3):
        v = jnp.min(cur, axis=0, keepdims=True)
        i = jnp.min(jnp.where(cur == v, iota_m, M), axis=0,
                    keepdims=True)
        ids.append(i)
        wks.append(1.0 / (jnp.sqrt(jnp.maximum(v, 1e-12)) + 1e-8))
        if k < 2:
            cur = jnp.where(iota_m == i, inf, cur)
    wsum = wks[0] + wks[1] + wks[2]
    for k in range(3):
        idx_ref[0, k:k + 1, :] = ids[k] + b_i * M
        w_ref[0, k:k + 1, :] = wks[k] / wsum


def _z_kernel(cf_ref, wcT_ref, z_ref):
    z_ref[...] = jnp.dot(cf_ref[...], wcT_ref[...],
                         preferred_element_type=jnp.float32)


@functools.partial(
    pl.kernel,
    mesh=plsc.VectorSubcoreMesh(core_axis_name="c", subcore_axis_name="s"),
    out_type=jax.ShapeDtypeStruct((3, B * N, COUT), jnp.float32),
    scratch_types=[
        pltpu.VMEM((3, PPW), jnp.int32),
        pltpu.VMEM((2, 3, G, COUT), jnp.float32),
        pltpu.SemaphoreType.DMA,
        pltpu.SemaphoreType.DMA,
        pltpu.SemaphoreType.DMA,
        pltpu.SemaphoreType.DMA,
    ],
)
def _sc_gather(idx_hbm, z_hbm, out_hbm, idxv, rows, sem0, sem1, osem0, osem1):
    wid = lax.axis_index("s") * 2 + lax.axis_index("c")
    pbase = wid * PPW
    bi = pbase // N
    off = pbase - bi * N
    pltpu.sync_copy(idx_hbm.at[bi, :, pl.ds(off, PPW)], idxv)
    sems = (sem0, sem1)
    osems = (osem0, osem1)

    def fire_in(g, buf):
        jb = g * G
        for k in range(3):
            pltpu.async_copy(z_hbm.at[idxv.at[k, pl.ds(jb, G)]],
                             rows.at[buf, k], sems[buf])

    def drain_in(buf):
        for k in range(3):
            pltpu.make_async_copy(z_hbm.at[pl.ds(0, G)],
                                  rows.at[buf, k], sems[buf]).wait()

    def fire_out(g, buf):
        jb = g * G
        for k in range(3):
            pltpu.async_copy(rows.at[buf, k],
                             out_hbm.at[k, pl.ds(pbase + jb, G)], osems[buf])

    def owait(buf):
        for k in range(3):
            pltpu.make_async_copy(rows.at[buf, k],
                                  out_hbm.at[0, pl.ds(0, G)],
                                  osems[buf]).wait()

    fire_in(0, 0)

    def pair(h, carry):
        g0 = h * 2

        @pl.when(h > 0)
        def _():
            owait(1)

        fire_in(g0 + 1, 1)
        drain_in(0)
        fire_out(g0, 0)

        @pl.when(g0 + 2 < NG)
        def _():
            owait(0)
            fire_in(g0 + 2, 0)

        drain_in(1)
        fire_out(g0 + 1, 1)
        return carry

    lax.fori_loop(0, NG // 2, pair, 0)
    owait(0)
    owait(1)


def _mlp_kernel(zg_ref, wT_ref, pfT_ref, wpT_ref, b_ref, y_ref, ps_ref,
                pss_ref):
    pf = pfT_ref[0]
    y = jnp.dot(pf, wpT_ref[...], preferred_element_type=jnp.float32)
    wT = wT_ref[0]
    for k in range(3):
        y = y + zg_ref[k] * wT[:, k:k + 1]
    y = y + b_ref[...]
    y_ref[0] = y
    ps_ref[0] = jnp.sum(y, axis=0, keepdims=True)
    pss_ref[0] = jnp.sum(y * y, axis=0, keepdims=True)


def _bn_kernel(y_ref, ac_ref, o_ref):
    yv = y_ref[0]
    z = jnp.maximum(yv * ac_ref[0:1, :] + ac_ref[1:2, :], 0.0)
    o_ref[0] = z.T


def kernel(points_coords, centers_coords, centers_features, points_features,
           W, b, gamma, beta):
    ccT = centers_coords.transpose(0, 2, 1)
    cfT = centers_features.transpose(0, 2, 1).reshape(B * M, CC)
    pfT = points_features.transpose(0, 2, 1)
    WT = W.T
    wcT = WT[:CC]
    wpT = WT[CC:]
    b_row = b.reshape(1, COUT)

    idx, wts = pl.pallas_call(
        _knn_kernel,
        grid=(B, KNB),
        in_specs=[
            pl.BlockSpec((1, 3, KBN), lambda bi, nb: (bi, 0, nb)),
            pl.BlockSpec((1, M, 3), lambda bi, nb: (bi, 0, 0)),
        ],
        out_specs=[
            pl.BlockSpec((1, 3, KBN), lambda bi, nb: (bi, 0, nb)),
            pl.BlockSpec((1, 3, KBN), lambda bi, nb: (bi, 0, nb)),
        ],
        out_shape=[
            jax.ShapeDtypeStruct((B, 3, N), jnp.int32),
            jax.ShapeDtypeStruct((B, 3, N), jnp.float32),
        ],
    )(points_coords, ccT)

    z = pl.pallas_call(
        _z_kernel,
        grid=(B,),
        in_specs=[
            pl.BlockSpec((M, CC), lambda bi: (bi, 0)),
            pl.BlockSpec((CC, COUT), lambda bi: (0, 0)),
        ],
        out_specs=pl.BlockSpec((M, COUT), lambda bi: (bi, 0)),
        out_shape=jax.ShapeDtypeStruct((B * M, COUT), jnp.float32),
    )(cfT, wcT)

    zg = _sc_gather(idx, z)

    wtsT = wts.transpose(0, 2, 1)

    yT, ps, pss = pl.pallas_call(
        _mlp_kernel,
        grid=(B, NB),
        in_specs=[
            pl.BlockSpec((3, BN, COUT), lambda bi, nb: (0, bi * NB + nb, 0)),
            pl.BlockSpec((1, BN, 3), lambda bi, nb: (bi, nb, 0)),
            pl.BlockSpec((1, BN, CP), lambda bi, nb: (bi, nb, 0)),
            pl.BlockSpec((CP, COUT), lambda bi, nb: (0, 0)),
            pl.BlockSpec((1, COUT), lambda bi, nb: (0, 0)),
        ],
        out_specs=[
            pl.BlockSpec((1, BN, COUT), lambda bi, nb: (bi, nb, 0)),
            pl.BlockSpec((1, 1, COUT), lambda bi, nb: (bi * NB + nb, 0, 0)),
            pl.BlockSpec((1, 1, COUT), lambda bi, nb: (bi * NB + nb, 0, 0)),
        ],
        out_shape=[
            jax.ShapeDtypeStruct((B, N, COUT), jnp.float32),
            jax.ShapeDtypeStruct((B * NB, 1, COUT), jnp.float32),
            jax.ShapeDtypeStruct((B * NB, 1, COUT), jnp.float32),
        ],
    )(zg, wtsT, pfT, wpT, b_row)

    cnt = jnp.float32(B * N)
    s = jnp.sum(ps[:, 0, :], axis=0)
    ss = jnp.sum(pss[:, 0, :], axis=0)
    mean = s / cnt
    var = ss / cnt - mean * mean
    a = gamma / jnp.sqrt(var + 1e-5)
    cshift = beta - mean * a
    ac = jnp.concatenate([a.reshape(1, COUT), cshift.reshape(1, COUT)], 0)

    out = pl.pallas_call(
        _bn_kernel,
        grid=(B, NB),
        in_specs=[
            pl.BlockSpec((1, BN, COUT), lambda bi, nb: (bi, nb, 0)),
            pl.BlockSpec((2, COUT), lambda bi, nb: (0, 0)),
        ],
        out_specs=pl.BlockSpec((1, COUT, BN), lambda bi, nb: (bi, 0, nb)),
        out_shape=jax.ShapeDtypeStruct((B, COUT, N), jnp.float32),
    )(yT, ac)

    return (out, points_coords)

# --- scband reference (transcript-rebuilt; emitter-appended) ---
"""Pipeline reference for scband-point-net-fpmodule-34754875359389 (READ-ONLY COPY).

The authoritative reference and input builder live on the scoring server;
editing this copy changes nothing except your own understanding.
"""

import jax, jax.numpy as jnp
import numpy as np

B, N, M, CC, CP, COUT = 8, 8192, 1024, 256, 256, 256
CIN = CC + CP


def setup_inputs(seed: int = 0) -> dict:
    key = jax.random.key(seed)
    ks = jax.random.split(key, 8)
    points_coords = jax.random.normal(ks[0], (B, 3, N), dtype=jnp.float32)
    centers_coords = jax.random.normal(ks[1], (B, 3, M), dtype=jnp.float32)
    centers_features = jax.random.normal(ks[2], (B, CC, M), dtype=jnp.float32)
    points_features = jax.random.normal(ks[3], (B, CP, N), dtype=jnp.float32)
    W = jax.random.normal(ks[4], (COUT, CIN), dtype=jnp.float32) * 0.05
    b = jnp.zeros((COUT,), dtype=jnp.float32)
    gamma = jnp.ones((COUT,), dtype=jnp.float32)
    beta = jnp.zeros((COUT,), dtype=jnp.float32)
    return {
        'points_coords': points_coords,
        'centers_coords': centers_coords,
        'centers_features': centers_features,
        'points_features': points_features,
        'W': W, 'b': b, 'gamma': gamma, 'beta': beta,
    }


def _nearest_neighbor_interpolate(points_coords, centers_coords, centers_features):
    # points_coords: [B,3,N], centers_coords: [B,3,M], centers_features: [B,C,M]
    p2 = jnp.sum(points_coords ** 2, axis=1)              # [B,N]
    c2 = jnp.sum(centers_coords ** 2, axis=1)             # [B,M]
    cross = jnp.einsum('bdn,bdm->bnm', points_coords, centers_coords)
    d2 = jnp.maximum(p2[:, :, None] + c2[:, None, :] - 2.0 * cross, 0.0)  # [B,N,M]
    neg_vals, idx = jax.lax.top_k(-d2, 3)                 # [B,N,3] nearest-3
    dist = jnp.sqrt(jnp.maximum(-neg_vals, 1e-12))
    w = 1.0 / (dist + 1e-8)
    w = w / jnp.sum(w, axis=-1, keepdims=True)            # inverse-distance weights
    def gather_one(feats, ii):
        return jnp.take(feats, ii, axis=1)                # [C,N,3]
    g = jax.vmap(gather_one)(centers_features, idx)       # [B,C,N,3]
    return jnp.sum(g * w[:, None, :, :], axis=-1)         # [B,C,N]


def _shared_mlp(x, W, b, gamma, beta):
    # 1x1 conv1d == per-point matmul, then BatchNorm1d (batch stats) + ReLU
    y = jnp.einsum('oc,bcn->bon', W, x) + b[None, :, None]
    mean = jnp.mean(y, axis=(0, 2), keepdims=True)
    var = jnp.var(y, axis=(0, 2), keepdims=True)
    yn = (y - mean) / jnp.sqrt(var + 1e-5)
    yn = yn * gamma[None, :, None] + beta[None, :, None]
    return jnp.maximum(yn, 0.0)


def reference(points_coords, centers_coords, centers_features, points_features, W, b, gamma, beta):
    interpolated = _nearest_neighbor_interpolate(points_coords, centers_coords, centers_features)
    feats = jnp.concatenate([interpolated, points_features], axis=1)  # [B, CIN, N]
    out = _shared_mlp(feats, W, b, gamma, beta)                       # [B, COUT, N]
    return (out, points_coords)

if __name__ == "__main__":
    import jax
    _d = setup_inputs()
    print(jax.jit(kernel)(*tuple(_d.values())))

</pallas_src>

<mosaic_0001>
#map = affine_map<(d0, d1) -> (0, 0, 0)>
#map1 = affine_map<(d0, d1) -> (0, 0)>
module attributes {stable_mosaic.version = 14 : i64} {
  func.func @_sc_gather(%arg0: i32, %arg1: i32, %arg2: memref<8x3x8192xi32, #tpu.memory_space<hbm>>, %arg3: memref<8192x256xf32, #tpu.memory_space<hbm>>, %arg4: memref<3x65536x256xf32, #tpu.memory_space<hbm>>, %arg5: memref<3x2048xi32, #tpu.memory_space<vmem>>, %arg6: memref<2x3x64x256xf32, #tpu.memory_space<vmem>>, %arg7: memref<!tpu.dma_semaphore, #tpu.memory_space<semaphore_mem>>, %arg8: memref<!tpu.dma_semaphore, #tpu.memory_space<semaphore_mem>>, %arg9: memref<!tpu.dma_semaphore, #tpu.memory_space<semaphore_mem>>, %arg10: memref<!tpu.dma_semaphore, #tpu.memory_space<semaphore_mem>>) attributes {dimension_semantics = [#tpu.dimension_semantics<core_parallel>, #tpu.dimension_semantics<subcore_parallel>], iteration_bounds = array<i64: 2, 16>, scalar_prefetch = 0 : i64, scratch_operands = 6 : i64, tpu.core_type = #tpu.core_type<sc_vector_subcore>, window_params = [{transform_indices = #map}, {transform_indices = #map1}, {transform_indices = #map}]} {
    %mul3A = arith.constant 2 : i32
    %mul3A_0 = arith.muli %arg1, %mul3A : i32
    %add3A = arith.addi %mul3A_0, %arg0 : i32
    %mul3A_1 = arith.constant 2048 : i32
    %mul3A_2 = arith.muli %add3A, %mul3A_1 : i32
    %jit3A = arith.constant 8192 : i32
    %div3A = arith.divsi %mul3A_2, %jit3A : i32
    %sign3A = arith.constant 0 : i32
    %sign3A_3 = arith.cmpi sgt, %mul3A_2, %sign3A : i32
    %sign3A_4 = arith.extui %sign3A_3 : i1 to i32
    %sign3A_5 = arith.constant 0 : i32
    %sign3A_6 = arith.cmpi slt, %mul3A_2, %sign3A_5 : i32
    %sign3A_7 = arith.extui %sign3A_6 : i1 to i32
    %sign3A_8 = arith.subi %sign3A_4, %sign3A_7 : i32
    %sign3A_9 = arith.constant 0 : i32
    %sign3A_10 = arith.cmpi sgt, %jit3A, %sign3A_9 : i32
    %sign3A_11 = arith.extui %sign3A_10 : i1 to i32
    %sign3A_12 = arith.constant 0 : i32
    %sign3A_13 = arith.cmpi slt, %jit3A, %sign3A_12 : i32
    %sign3A_14 = arith.extui %sign3A_13 : i1 to i32
    %sign3A_15 = arith.subi %sign3A_11, %sign3A_14 : i32
    %ne3A = arith.cmpi ne, %sign3A_8, %sign3A_15 : i32
    %rem3A = arith.remsi %mul3A_2, %jit3A : i32
    %ne3A_16 = arith.constant 0 : i32
    %ne3A_17 = arith.cmpi ne, %rem3A, %ne3A_16 : i32
    %and3A = arith.andi %ne3A, %ne3A_17 : i1
    %sub3A = arith.constant 1 : i32
    %sub3A_18 = arith.subi %div3A, %sub3A : i32
    %select_n3A = arith.select %and3A, %sub3A_18, %div3A : i32
    %mul3A_19 = arith.constant 8192 : i32
    %mul3A_20 = arith.muli %select_n3A, %mul3A_19 : i32
    %sub3A_21 = arith.subi %mul3A_2, %mul3A_20 : i32
    "tpu.region"() ({
      %run_scoped3A = tpu.sem_alloc : memref<!tpu.dma_semaphore, #tpu.memory_space<semaphore_mem>>
      %dma_start3A_178 = arith.constant 0 : i32
      %dma_start3A_179 = tpu.memref_slice %arg2[%select_n3A, %dma_start3A_178, %sub3A_21] : memref<8x3x8192xi32, #tpu.memory_space<hbm>> -> memref<1x3x2048xi32, #tpu.memory_space<hbm>>
      %dma_start3A_180 = tpu.memref_squeeze %dma_start3A_179 : memref<1x3x2048xi32, #tpu.memory_space<hbm>> -> memref<3x2048xi32, #tpu.memory_space<hbm>>
      %dma_start3A_181 = arith.constant 0 : i32
      %dma_start3A_182 = tpu.memref_slice %arg2[%select_n3A, %dma_start3A_181, %sub3A_21] : memref<8x3x8192xi32, #tpu.memory_space<hbm>> -> memref<1x3x2048xi32, #tpu.memory_space<hbm>>
      %dma_start3A_183 = tpu.memref_squeeze %dma_start3A_182 : memref<1x3x2048xi32, #tpu.memory_space<hbm>> -> memref<3x2048xi32, #tpu.memory_space<hbm>>
      tpu.enqueue_dma source(%dma_start3A_183 : memref<3x2048xi32, #tpu.memory_space<hbm>>) target(%arg5 : memref<3x2048xi32, #tpu.memory_space<vmem>>) target_semaphore(%run_scoped3A : memref<!tpu.dma_semaphore, #tpu.memory_space<semaphore_mem>>)
      %dma_wait3A_184 = arith.constant 0 : i32
      %dma_wait3A_185 = tpu.memref_slice %arg2[%select_n3A, %dma_wait3A_184, %sub3A_21] : memref<8x3x8192xi32, #tpu.memory_space<hbm>> -> memref<1x3x2048xi32, #tpu.memory_space<hbm>>
      %dma_wait3A_186 = tpu.memref_squeeze %dma_wait3A_185 : memref<1x3x2048xi32, #tpu.memory_space<hbm>> -> memref<3x2048xi32, #tpu.memory_space<hbm>>
      %dma_wait3A_187 = arith.constant 0 : i32
      %dma_wait3A_188 = tpu.memref_slice %arg2[%select_n3A, %dma_wait3A_187, %sub3A_21] : memref<8x3x8192xi32, #tpu.memory_space<hbm>> -> memref<1x3x2048xi32, #tpu.memory_space<hbm>>
      %dma_wait3A_189 = tpu.memref_squeeze %dma_wait3A_188 : memref<1x3x2048xi32, #tpu.memory_space<hbm>> -> memref<3x2048xi32, #tpu.memory_space<hbm>>
      tpu.wait_dma2 semaphore(%run_scoped3A : memref<!tpu.dma_semaphore, #tpu.memory_space<semaphore_mem>>) src(%dma_wait3A_189 : memref<3x2048xi32, #tpu.memory_space<hbm>>) dst(%arg5 : memref<3x2048xi32, #tpu.memory_space<vmem>>)
      tpu.yield
    }) : () -> ()
    %dma_start3A = arith.constant 0 : i32
    %dma_start3A_22 = arith.constant 0 : i32
    %dma_start3A_23 = arith.constant 0 : i32
    %dma_start3A_24 = arith.constant 0 : i32
    %dma_start3A_25 = arith.constant 0 : i32
    %dma_start3A_26 = tpu.memref_slice %arg6[%dma_start3A_22, %dma_start3A_23, %dma_start3A_24, %dma_start3A_25] : memref<2x3x64x256xf32, #tpu.memory_space<vmem>> -> memref<1x1x64x256xf32, #tpu.memory_space<vmem>>
    %dma_start3A_27 = tpu.memref_squeeze %dma_start3A_26 : memref<1x1x64x256xf32, #tpu.memory_space<vmem>> -> memref<64x256xf32, #tpu.memory_space<vmem>>
    %dma_start3A_28 = arith.constant 0 : i32
    %dma_start3A_29 = tpu.memref_slice %arg5[%dma_start3A, %dma_start3A_28] : memref<3x2048xi32, #tpu.memory_space<vmem>> -> memref<1x64xi32, #tpu.memory_space<vmem>>
    %dma_start3A_30 = tpu.memref_squeeze %dma_start3A_29 : memref<1x64xi32, #tpu.memory_space<vmem>> -> memref<64xi32, #tpu.memory_space<vmem>>
    %dma_start3A_31 = arith.constant 0 : i32
    %dma_start3A_32 = arith.constant 0 : i32
    %dma_start3A_33 = tpu.memref_slice %arg3[%dma_start3A_31, %dma_start3A_32] : memref<8192x256xf32, #tpu.memory_space<hbm>> -> memref<8192x256xf32, #tpu.memory_space<hbm>>
    tpu.enqueue_indirect_dma source(%dma_start3A_33 : memref<8192x256xf32, #tpu.memory_space<hbm>>) target(%dma_start3A_27 : memref<64x256xf32, #tpu.memory_space<vmem>>) offsets(%dma_start3A_30 : memref<64xi32, #tpu.memory_space<vmem>>) semaphore(%arg7 : memref<!tpu.dma_semaphore, #tpu.memory_space<semaphore_mem>>)
    %dma_start3A_34 = arith.constant 1 : i32
    %dma_start3A_35 = arith.constant 0 : i32
    %dma_start3A_36 = arith.constant 1 : i32
    %dma_start3A_37 = arith.constant 0 : i32
    %dma_start3A_38 = arith.constant 0 : i32
    %dma_start3A_39 = tpu.memref_slice %arg6[%dma_start3A_35, %dma_start3A_36, %dma_start3A_37, %dma_start3A_38] : memref<2x3x64x256xf32, #tpu.memory_space<vmem>> -> memref<1x1x64x256xf32, #tpu.memory_space<vmem>>
    %dma_start3A_40 = tpu.memref_squeeze %dma_start3A_39 : memref<1x1x64x256xf32, #tpu.memory_space<vmem>> -> memref<64x256xf32, #tpu.memory_space<vmem>>
    %dma_start3A_41 = arith.constant 0 : i32
    %dma_start3A_42 = tpu.memref_slice %arg5[%dma_start3A_34, %dma_start3A_41] : memref<3x2048xi32, #tpu.memory_space<vmem>> -> memref<1x64xi32, #tpu.memory_space<vmem>>
    %dma_start3A_43 = tpu.memref_squeeze %dma_start3A_42 : memref<1x64xi32, #tpu.memory_space<vmem>> -> memref<64xi32, #tpu.memory_space<vmem>>
    %dma_start3A_44 = arith.constant 0 : i32
    %dma_start3A_45 = arith.constant 0 : i32
    %dma_start3A_46 = tpu.memref_slice %arg3[%dma_start3A_44, %dma_start3A_45] : memref<8192x256xf32, #tpu.memory_space<hbm>> -> memref<8192x256xf32, #tpu.memory_space<hbm>>
    tpu.enqueue_indirect_dma source(%dma_start3A_46 : memref<8192x256xf32, #tpu.memory_space<hbm>>) target(%dma_start3A_40 : memref<64x256xf32, #tpu.memory_space<vmem>>) offsets(%dma_start3A_43 : memref<64xi32, #tpu.memory_space<vmem>>) semaphore(%arg7 : memref<!tpu.dma_semaphore, #tpu.memory_space<semaphore_mem>>)
    %dma_start3A_47 = arith.constant 2 : i32
    %dma_start3A_48 = arith.constant 0 : i32
    %dma_start3A_49 = arith.constant 2 : i32
    %dma_start3A_50 = arith.constant 0 : i32
    %dma_start3A_51 = arith.constant 0 : i32
    %dma_start3A_52 = tpu.memref_slice %arg6[%dma_start3A_48, %dma_start3A_49, %dma_start3A_50, %dma_start3A_51] : memref<2x3x64x256xf32, #tpu.memory_space<vmem>> -> memref<1x1x64x256xf32, #tpu.memory_space<vmem>>
    %dma_start3A_53 = tpu.memref_squeeze %dma_start3A_52 : memref<1x1x64x256xf32, #tpu.memory_space<vmem>> -> memref<64x256xf32, #tpu.memory_space<vmem>>
    %dma_start3A_54 = arith.constant 0 : i32
    %dma_start3A_55 = tpu.memref_slice %arg5[%dma_start3A_47, %dma_start3A_54] : memref<3x2048xi32, #tpu.memory_space<vmem>> -> memref<1x64xi32, #tpu.memory_space<vmem>>
    %dma_start3A_56 = tpu.memref_squeeze %dma_start3A_55 : memref<1x64xi32, #tpu.memory_space<vmem>> -> memref<64xi32, #tpu.memory_space<vmem>>
    %dma_start3A_57 = arith.constant 0 : i32
    %dma_start3A_58 = arith.constant 0 : i32
    %dma_start3A_59 = tpu.memref_slice %arg3[%dma_start3A_57, %dma_start3A_58] : memref<8192x256xf32, #tpu.memory_space<hbm>> -> memref<8192x256xf32, #tpu.memory_space<hbm>>
    tpu.enqueue_indirect_dma source(%dma_start3A_59 : memref<8192x256xf32, #tpu.memory_space<hbm>>) target(%dma_start3A_53 : memref<64x256xf32, #tpu.memory_space<vmem>>) offsets(%dma_start3A_56 : memref<64xi32, #tpu.memory_space<vmem>>) semaphore(%arg7 : memref<!tpu.dma_semaphore, #tpu.memory_space<semaphore_mem>>)
    %scan3A = arith.constant 0 : i32
    %scan3A_60 = arith.constant 0 : i32
    %scan3A_61 = arith.constant 16 : i32
    %scan3A_62 = arith.addi %scan3A_60, %scan3A_61 : i32
    %scan3A_63 = arith.constant 1 : i32
    scf.for %scan3A_178 = %scan3A_60 to %scan3A_62 step %scan3A_63  : i32 {
      %mul3A_179 = arith.constant 2 : i32
      %mul3A_180 = arith.muli %scan3A_178, %mul3A_179 : i32
      %gt3A = arith.constant 0 : i32
      %gt3A_181 = arith.cmpi sgt, %scan3A_178, %gt3A : i32
      %convert_element_type3A = arith.extui %gt3A_181 : i1 to i32
      %cond3A = arith.constant 0 : i32
      %cond3A_182 = arith.cmpi ne, %convert_element_type3A, %cond3A : i32
      scf.if %cond3A_182 {
        %dma_wait3A_439 = arith.constant 1 : i32
        %dma_wait3A_440 = arith.constant 0 : i32
        %dma_wait3A_441 = arith.constant 0 : i32
        %dma_wait3A_442 = arith.constant 0 : i32
        %dma_wait3A_443 = arith.constant 0 : i32
        %dma_wait3A_444 = tpu.memref_slice %arg6[%dma_wait3A_439, %dma_wait3A_440, %dma_wait3A_442, %dma_wait3A_443] : memref<2x3x64x256xf32, #tpu.memory_space<vmem>> -> memref<1x1x64x256xf32, #tpu.memory_space<vmem>>
        %dma_wait3A_445 = tpu.memref_squeeze %dma_wait3A_444 : memref<1x1x64x256xf32, #tpu.memory_space<vmem>> -> memref<64x256xf32, #tpu.memory_space<vmem>>
        %dma_wait3A_446 = arith.constant 0 : i32
        %dma_wait3A_447 = arith.constant 0 : i32
        %dma_wait3A_448 = tpu.memref_slice %arg4[%dma_wait3A_441, %dma_wait3A_446, %dma_wait3A_447] : memref<3x65536x256xf32, #tpu.memory_space<hbm>> -> memref<1x64x256xf32, #tpu.memory_space<hbm>>
        %dma_wait3A_449 = tpu.memref_squeeze %dma_wait3A_448 : memref<1x64x256xf32, #tpu.memory_space<hbm>> -> memref<64x256xf32, #tpu.memory_space<hbm>>
        %dma_wait3A_450 = arith.constant 0 : i32
        %dma_wait3A_451 = arith.constant 0 : i32
        %dma_wait3A_452 = tpu.memref_slice %arg4[%dma_wait3A_441, %dma_wait3A_450, %dma_wait3A_451] : memref<3x65536x256xf32, #tpu.memory_space<hbm>> -> memref<1x64x256xf32, #tpu.memory_space<hbm>>
        %dma_wait3A_453 = tpu.memref_squeeze %dma_wait3A_452 : memref<1x64x256xf32, #tpu.memory_space<hbm>> -> memref<64x256xf32, #tpu.memory_space<hbm>>
        %dma_wait3A_454 = arith.constant 0 : i32
        %dma_wait3A_455 = arith.constant 0 : i32
        %dma_wait3A_456 = tpu.memref_slice %arg6[%dma_wait3A_439, %dma_wait3A_440, %dma_wait3A_454, %dma_wait3A_455] : memref<2x3x64x256xf32, #tpu.memory_space<vmem>> -> memref<1x1x64x256xf32, #tpu.memory_space<vmem>>
        %dma_wait3A_457 = tpu.memref_squeeze %dma_wait3A_456 : memref<1x1x64x256xf32, #tpu.memory_space<vmem>> -> memref<64x256xf32, #tpu.memory_space<vmem>>
        tpu.wait_dma2 semaphore(%arg10 : memref<!tpu.dma_semaphore, #tpu.memory_space<semaphore_mem>>) src(%dma_wait3A_457 : memref<64x256xf32, #tpu.memory_space<vmem>>) dst(%dma_wait3A_453 : memref<64x256xf32, #tpu.memory_space<hbm>>)
        %dma_wait3A_458 = arith.constant 1 : i32
        %dma_wait3A_459 = arith.constant 1 : i32
        %dma_wait3A_460 = arith.constant 0 : i32
        %dma_wait3A_461 = arith.constant 0 : i32
        %dma_wait3A_462 = arith.constant 0 : i32
        %dma_wait3A_463 = tpu.memref_slice %arg6[%dma_wait3A_458, %dma_wait3A_459, %dma_wait3A_461, %dma_wait3A_462] : memref<2x3x64x256xf32, #tpu.memory_space<vmem>> -> memref<1x1x64x256xf32, #tpu.memory_space<vmem>>
        %dma_wait3A_464 = tpu.memref_squeeze %dma_wait3A_463 : memref<1x1x64x256xf32, #tpu.memory_space<vmem>> -> memref<64x256xf32, #tpu.memory_space<vmem>>
        %dma_wait3A_465 = arith.constant 0 : i32
        %dma_wait3A_466 = arith.constant 0 : i32
        %dma_wait3A_467 = tpu.memref_slice %arg4[%dma_wait3A_460, %dma_wait3A_465, %dma_wait3A_466] : memref<3x65536x256xf32, #tpu.memory_space<hbm>> -> memref<1x64x256xf32, #tpu.memory_space<hbm>>
        %dma_wait3A_468 = tpu.memref_squeeze %dma_wait3A_467 : memref<1x64x256xf32, #tpu.memory_space<hbm>> -> memref<64x256xf32, #tpu.memory_space<hbm>>
        %dma_wait3A_469 = arith.constant 0 : i32
        %dma_wait3A_470 = arith.constant 0 : i32
        %dma_wait3A_471 = tpu.memref_slice %arg4[%dma_wait3A_460, %dma_wait3A_469, %dma_wait3A_470] : memref<3x65536x256xf32, #tpu.memory_space<hbm>> -> memref<1x64x256xf32, #tpu.memory_space<hbm>>
        %dma_wait3A_472 = tpu.memref_squeeze %dma_wait3A_471 : memref<1x64x256xf32, #tpu.memory_space<hbm>> -> memref<64x256xf32, #tpu.memory_space<hbm>>
        %dma_wait3A_473 = arith.constant 0 : i32
        %dma_wait3A_474 = arith.constant 0 : i32
        %dma_wait3A_475 = tpu.memref_slice %arg6[%dma_wait3A_458, %dma_wait3A_459, %dma_wait3A_473, %dma_wait3A_474] : memref<2x3x64x256xf32, #tpu.memory_space<vmem>> -> memref<1x1x64x256xf32, #tpu.memory_space<vmem>>
        %dma_wait3A_476 = tpu.memref_squeeze %dma_wait3A_475 : memref<1x1x64x256xf32, #tpu.memory_space<vmem>> -> memref<64x256xf32, #tpu.memory_space<vmem>>
        tpu.wait_dma2 semaphore(%arg10 : memref<!tpu.dma_semaphore, #tpu.memory_space<semaphore_mem>>) src(%dma_wait3A_476 : memref<64x256xf32, #tpu.memory_space<vmem>>) dst(%dma_wait3A_472 : memref<64x256xf32, #tpu.memory_space<hbm>>)
        %dma_wait3A_477 = arith.constant 1 : i32
        %dma_wait3A_478 = arith.constant 2 : i32
        %dma_wait3A_479 = arith.constant 0 : i32
        %dma_wait3A_480 = arith.constant 0 : i32
        %dma_wait3A_481 = arith.constant 0 : i32
        %dma_wait3A_482 = tpu.memref_slice %arg6[%dma_wait3A_477, %dma_wait3A_478, %dma_wait3A_480, %dma_wait3A_481] : memref<2x3x64x256xf32, #tpu.memory_space<vmem>> -> memref<1x1x64x256xf32, #tpu.memory_space<vmem>>
        %dma_wait3A_483 = tpu.memref_squeeze %dma_wait3A_482 : memref<1x1x64x256xf32, #tpu.memory_space<vmem>> -> memref<64x256xf32, #tpu.memory_space<vmem>>
        %dma_wait3A_484 = arith.constant 0 : i32
        %dma_wait3A_485 = arith.constant 0 : i32
        %dma_wait3A_486 = tpu.memref_slice %arg4[%dma_wait3A_479, %dma_wait3A_484, %dma_wait3A_485] : memref<3x65536x256xf32, #tpu.memory_space<hbm>> -> memref<1x64x256xf32, #tpu.memory_space<hbm>>
        %dma_wait3A_487 = tpu.memref_squeeze %dma_wait3A_486 : memref<1x64x256xf32, #tpu.memory_space<hbm>> -> memref<64x256xf32, #tpu.memory_space<hbm>>
        %dma_wait3A_488 = arith.constant 0 : i32
        %dma_wait3A_489 = arith.constant 0 : i32
        %dma_wait3A_490 = tpu.memref_slice %arg4[%dma_wait3A_479, %dma_wait3A_488, %dma_wait3A_489] : memref<3x65536x256xf32, #tpu.memory_space<hbm>> -> memref<1x64x256xf32, #tpu.memory_space<hbm>>
        %dma_wait3A_491 = tpu.memref_squeeze %dma_wait3A_490 : memref<1x64x256xf32, #tpu.memory_space<hbm>> -> memref<64x256xf32, #tpu.memory_space<hbm>>
        %dma_wait3A_492 = arith.constant 0 : i32
        %dma_wait3A_493 = arith.constant 0 : i32
        %dma_wait3A_494 = tpu.memref_slice %arg6[%dma_wait3A_477, %dma_wait3A_478, %dma_wait3A_492, %dma_wait3A_493] : memref<2x3x64x256xf32, #tpu.memory_space<vmem>> -> memref<1x1x64x256xf32, #tpu.memory_space<vmem>>
        %dma_wait3A_495 = tpu.memref_squeeze %dma_wait3A_494 : memref<1x1x64x256xf32, #tpu.memory_space<vmem>> -> memref<64x256xf32, #tpu.memory_space<vmem>>
        tpu.wait_dma2 semaphore(%arg10 : memref<!tpu.dma_semaphore, #tpu.memory_space<semaphore_mem>>) src(%dma_wait3A_495 : memref<64x256xf32, #tpu.memory_space<vmem>>) dst(%dma_wait3A_491 : memref<64x256xf32, #tpu.memory_space<hbm>>)
      } else {
      }
      %add3A_183 = arith.constant 1 : i32
      %add3A_184 = arith.addi %mul3A_180, %add3A_183 : i32
      %mul3A_185 = arith.constant 64 : i32
      %mul3A_186 = arith.muli %add3A_184, %mul3A_185 : i32
      %dma_start3A_187 = arith.constant 0 : i32
      %dma_start3A_188 = arith.constant 1 : i32
      %dma_start3A_189 = arith.constant 0 : i32
      %dma_start3A_190 = arith.constant 0 : i32
      %dma_start3A_191 = arith.constant 0 : i32
      %dma_start3A_192 = tpu.memref_slice %arg6[%dma_start3A_188, %dma_start3A_189, %dma_start3A_190, %dma_start3A_191] : memref<2x3x64x256xf32, #tpu.memory_space<vmem>> -> memref<1x1x64x256xf32, #tpu.memory_space<vmem>>
      %dma_start3A_193 = tpu.memref_squeeze %dma_start3A_192 : memref<1x1x64x256xf32, #tpu.memory_space<vmem>> -> memref<64x256xf32, #tpu.memory_space<vmem>>
      %dma_start3A_194 = tpu.memref_slice %arg5[%dma_start3A_187, %mul3A_186] : memref<3x2048xi32, #tpu.memory_space<vmem>> -> memref<1x64xi32, #tpu.memory_space<vmem>>
      %dma_start3A_195 = tpu.memref_squeeze %dma_start3A_194 : memref<1x64xi32, #tpu.memory_space<vmem>> -> memref<64xi32, #tpu.memory_space<vmem>>
      %dma_start3A_196 = arith.constant 0 : i32
      %dma_start3A_197 = arith.constant 0 : i32
      %dma_start3A_198 = tpu.memref_slice %arg3[%dma_start3A_196, %dma_start3A_197] : memref<8192x256xf32, #tpu.memory_space<hbm>> -> memref<8192x256xf32, #tpu.memory_space<hbm>>
      tpu.enqueue_indirect_dma source(%dma_start3A_198 : memref<8192x256xf32, #tpu.memory_space<hbm>>) target(%dma_start3A_193 : memref<64x256xf32, #tpu.memory_space<vmem>>) offsets(%dma_start3A_195 : memref<64xi32, #tpu.memory_space<vmem>>) semaphore(%arg8 : memref<!tpu.dma_semaphore, #tpu.memory_space<semaphore_mem>>)
      %dma_start3A_199 = arith.constant 1 : i32
      %dma_start3A_200 = arith.constant 1 : i32
      %dma_start3A_201 = arith.constant 1 : i32
      %dma_start3A_202 = arith.constant 0 : i32
      %dma_start3A_203 = arith.constant 0 : i32
      %dma_start3A_204 = tpu.memref_slice %arg6[%dma_start3A_200, %dma_start3A_201, %dma_start3A_202, %dma_start3A_203] : memref<2x3x64x256xf32, #tpu.memory_space<vmem>> -> memref<1x1x64x256xf32, #tpu.memory_space<vmem>>
      %dma_start3A_205 = tpu.memref_squeeze %dma_start3A_204 : memref<1x1x64x256xf32, #tpu.memory_space<vmem>> -> memref<64x256xf32, #tpu.memory_space<vmem>>
      %dma_start3A_206 = tpu.memref_slice %arg5[%dma_start3A_199, %mul3A_186] : memref<3x2048xi32, #tpu.memory_space<vmem>> -> memref<1x64xi32, #tpu.memory_space<vmem>>
      %dma_start3A_207 = tpu.memref_squeeze %dma_start3A_206 : memref<1x64xi32, #tpu.memory_space<vmem>> -> memref<64xi32, #tpu.memory_space<vmem>>
      %dma_start3A_208 = arith.constant 0 : i32
      %dma_start3A_209 = arith.constant 0 : i32
      %dma_start3A_210 = tpu.memref_slice %arg3[%dma_start3A_208, %dma_start3A_209] : memref<8192x256xf32, #tpu.memory_space<hbm>> -> memref<8192x256xf32, #tpu.memory_space<hbm>>
      tpu.enqueue_indirect_dma source(%dma_start3A_210 : memref<8192x256xf32, #tpu.memory_space<hbm>>) target(%dma_start3A_205 : memref<64x256xf32, #tpu.memory_space<vmem>>) offsets(%dma_start3A_207 : memref<64xi32, #tpu.memory_space<vmem>>) semaphore(%arg8 : memref<!tpu.dma_semaphore, #tpu.memory_space<semaphore_mem>>)
      %dma_start3A_211 = arith.constant 2 : i32
      %dma_start3A_212 = arith.constant 1 : i32
      %dma_start3A_213 = arith.constant 2 : i32
      %dma_start3A_214 = arith.constant 0 : i32
      %dma_start3A_215 = arith.constant 0 : i32
      %dma_start3A_216 = tpu.memref_slice %arg6[%dma_start3A_212, %dma_start3A_213, %dma_start3A_214, %dma_start3A_215] : memref<2x3x64x256xf32, #tpu.memory_space<vmem>> -> memref<1x1x64x256xf32, #tpu.memory_space<vmem>>
      %dma_start3A_217 = tpu.memref_squeeze %dma_start3A_216 : memref<1x1x64x256xf32, #tpu.memory_space<vmem>> -> memref<64x256xf32, #tpu.memory_space<vmem>>
      %dma_start3A_218 = tpu.memref_slice %arg5[%dma_start3A_211, %mul3A_186] : memref<3x2048xi32, #tpu.memory_space<vmem>> -> memref<1x64xi32, #tpu.memory_space<vmem>>
      %dma_start3A_219 = tpu.memref_squeeze %dma_start3A_218 : memref<1x64xi32, #tpu.memory_space<vmem>> -> memref<64xi32, #tpu.memory_space<vmem>>
      %dma_start3A_220 = arith.constant 0 : i32
      %dma_start3A_221 = arith.constant 0 : i32
      %dma_start3A_222 = tpu.memref_slice %arg3[%dma_start3A_220, %dma_start3A_221] : memref<8192x256xf32, #tpu.memory_space<hbm>> -> memref<8192x256xf32, #tpu.memory_space<hbm>>
      tpu.enqueue_indirect_dma source(%dma_start3A_222 : memref<8192x256xf32, #tpu.memory_space<hbm>>) target(%dma_start3A_217 : memref<64x256xf32, #tpu.memory_space<vmem>>) offsets(%dma_start3A_219 : memref<64xi32, #tpu.memory_space<vmem>>) semaphore(%arg8 : memref<!tpu.dma_semaphore, #tpu.memory_space<semaphore_mem>>)
      %dma_wait3A_223 = arith.constant 0 : i32
      %dma_wait3A_224 = arith.constant 0 : i32
      %dma_wait3A_225 = arith.constant 0 : i32
      %dma_wait3A_226 = arith.constant 0 : i32
      %dma_wait3A_227 = tpu.memref_slice %arg6[%dma_wait3A_223, %dma_wait3A_224, %dma_wait3A_225, %dma_wait3A_226] : memref<2x3x64x256xf32, #tpu.memory_space<vmem>> -> memref<1x1x64x256xf32, #tpu.memory_space<vmem>>
      %dma_wait3A_228 = tpu.memref_squeeze %dma_wait3A_227 : memref<1x1x64x256xf32, #tpu.memory_space<vmem>> -> memref<64x256xf32, #tpu.memory_space<vmem>>
      %dma_wait3A_229 = arith.constant 0 : i32
      %dma_wait3A_230 = arith.constant 0 : i32
      %dma_wait3A_231 = tpu.memref_slice %arg3[%dma_wait3A_229, %dma_wait3A_230] : memref<8192x256xf32, #tpu.memory_space<hbm>> -> memref<64x256xf32, #tpu.memory_space<hbm>>
      %dma_wait3A_232 = arith.constant 0 : i32
      %dma_wait3A_233 = arith.constant 0 : i32
      %dma_wait3A_234 = tpu.memref_slice %arg6[%dma_wait3A_223, %dma_wait3A_224, %dma_wait3A_232, %dma_wait3A_233] : memref<2x3x64x256xf32, #tpu.memory_space<vmem>> -> memref<1x1x64x256xf32, #tpu.memory_space<vmem>>
      %dma_wait3A_235 = tpu.memref_squeeze %dma_wait3A_234 : memref<1x1x64x256xf32, #tpu.memory_space<vmem>> -> memref<64x256xf32, #tpu.memory_space<vmem>>
      %dma_wait3A_236 = arith.constant 0 : i32
      %dma_wait3A_237 = arith.constant 0 : i32
      %dma_wait3A_238 = tpu.memref_slice %arg3[%dma_wait3A_236, %dma_wait3A_237] : memref<8192x256xf32, #tpu.memory_space<hbm>> -> memref<64x256xf32, #tpu.memory_space<hbm>>
      tpu.wait_dma2 semaphore(%arg7 : memref<!tpu.dma_semaphore, #tpu.memory_space<semaphore_mem>>) src(%dma_wait3A_238 : memref<64x256xf32, #tpu.memory_space<hbm>>) dst(%dma_wait3A_235 : memref<64x256xf32, #tpu.memory_space<vmem>>)
      %dma_wait3A_239 = arith.constant 0 : i32
      %dma_wait3A_240 = arith.constant 1 : i32
      %dma_wait3A_241 = arith.constant 0 : i32
      %dma_wait3A_242 = arith.constant 0 : i32
      %dma_wait3A_243 = tpu.memref_slice %arg6[%dma_wait3A_239, %dma_wait3A_240, %dma_wait3A_241, %dma_wait3A_242] : memref<2x3x64x256xf32, #tpu.memory_space<vmem>> -> memref<1x1x64x256xf32, #tpu.memory_space<vmem>>
      %dma_wait3A_244 = tpu.memref_squeeze %dma_wait3A_243 : memref<1x1x64x256xf32, #tpu.memory_space<vmem>> -> memref<64x256xf32, #tpu.memory_space<vmem>>
      %dma_wait3A_245 = arith.constant 0 : i32
      %dma_wait3A_246 = arith.constant 0 : i32
      %dma_wait3A_247 = tpu.memref_slice %arg3[%dma_wait3A_245, %dma_wait3A_246] : memref<8192x256xf32, #tpu.memory_space<hbm>> -> memref<64x256xf32, #tpu.memory_space<hbm>>
      %dma_wait3A_248 = arith.constant 0 : i32
      %dma_wait3A_249 = arith.constant 0 : i32
      %dma_wait3A_250 = tpu.memref_slice %arg6[%dma_wait3A_239, %dma_wait3A_240, %dma_wait3A_248, %dma_wait3A_249] : memref<2x3x64x256xf32, #tpu.memory_space<vmem>> -> memref<1x1x64x256xf32, #tpu.memory_space<vmem>>
      %dma_wait3A_251 = tpu.memref_squeeze %dma_wait3A_250 : memref<1x1x64x256xf32, #tpu.memory_space<vmem>> -> memref<64x256xf32, #tpu.memory_space<vmem>>
      %dma_wait3A_252 = arith.constant 0 : i32
      %dma_wait3A_253 = arith.constant 0 : i32
      %dma_wait3A_254 = tpu.memref_slice %arg3[%dma_wait3A_252, %dma_wait3A_253] : memref<8192x256xf32, #tpu.memory_space<hbm>> -> memref<64x256xf32, #tpu.memory_space<hbm>>
      tpu.wait_dma2 semaphore(%arg7 : memref<!tpu.dma_semaphore, #tpu.memory_space<semaphore_mem>>) src(%dma_wait3A_254 : memref<64x256xf32, #tpu.memory_space<hbm>>) dst(%dma_wait3A_251 : memref<64x256xf32, #tpu.memory_space<vmem>>)
      %dma_wait3A_255 = arith.constant 0 : i32
      %dma_wait3A_256 = arith.constant 2 : i32
      %dma_wait3A_257 = arith.constant 0 : i32
      %dma_wait3A_258 = arith.constant 0 : i32
      %dma_wait3A_259 = tpu.memref_slice %arg6[%dma_wait3A_255, %dma_wait3A_256, %dma_wait3A_257, %dma_wait3A_258] : memref<2x3x64x256xf32, #tpu.memory_space<vmem>> -> memref<1x1x64x256xf32, #tpu.memory_space<vmem>>
      %dma_wait3A_260 = tpu.memref_squeeze %dma_wait3A_259 : memref<1x1x64x256xf32, #tpu.memory_space<vmem>> -> memref<64x256xf32, #tpu.memory_space<vmem>>
      %dma_wait3A_261 = arith.constant 0 : i32
      %dma_wait3A_262 = arith.constant 0 : i32
      %dma_wait3A_263 = tpu.memref_slice %arg3[%dma_wait3A_261, %dma_wait3A_262] : memref<8192x256xf32, #tpu.memory_space<hbm>> -> memref<64x256xf32, #tpu.memory_space<hbm>>
      %dma_wait3A_264 = arith.constant 0 : i32
      %dma_wait3A_265 = arith.constant 0 : i32
      %dma_wait3A_266 = tpu.memref_slice %arg6[%dma_wait3A_255, %dma_wait3A_256, %dma_wait3A_264, %dma_wait3A_265] : memref<2x3x64x256xf32, #tpu.memory_space<vmem>> -> memref<1x1x64x256xf32, #tpu.memory_space<vmem>>
      %dma_wait3A_267 = tpu.memref_squeeze %dma_wait3A_266 : memref<1x1x64x256xf32, #tpu.memory_space<vmem>> -> memref<64x256xf32, #tpu.memory_space<vmem>>
      %dma_wait3A_268 = arith.constant 0 : i32
      %dma_wait3A_269 = arith.constant 0 : i32
      %dma_wait3A_270 = tpu.memref_slice %arg3[%dma_wait3A_268, %dma_wait3A_269] : memref<8192x256xf32, #tpu.memory_space<hbm>> -> memref<64x256xf32, #tpu.memory_space<hbm>>
      tpu.wait_dma2 semaphore(%arg7 : memref<!tpu.dma_semaphore, #tpu.memory_space<semaphore_mem>>) src(%dma_wait3A_270 : memref<64x256xf32, #tpu.memory_space<hbm>>) dst(%dma_wait3A_267 : memref<64x256xf32, #tpu.memory_space<vmem>>)
      %mul3A_271 = arith.constant 64 : i32
      %mul3A_272 = arith.muli %mul3A_180, %mul3A_271 : i32
      %add3A_273 = arith.addi %mul3A_2, %mul3A_272 : i32
      %dma_start3A_274 = arith.constant 0 : i32
      %dma_start3A_275 = arith.constant 0 : i32
      %dma_start3A_276 = arith.constant 0 : i32
      %dma_start3A_277 = arith.constant 0 : i32
      %dma_start3A_278 = arith.constant 0 : i32
      %dma_start3A_279 = tpu.memref_slice %arg6[%dma_start3A_274, %dma_start3A_275, %dma_start3A_277, %dma_start3A_278] : memref<2x3x64x256xf32, #tpu.memory_space<vmem>> -> memref<1x1x64x256xf32, #tpu.memory_space<vmem>>
      %dma_start3A_280 = tpu.memref_squeeze %dma_start3A_279 : memref<1x1x64x256xf32, #tpu.memory_space<vmem>> -> memref<64x256xf32, #tpu.memory_space<vmem>>
      %dma_start3A_281 = arith.constant 0 : i32
      %dma_start3A_282 = tpu.memref_slice %arg4[%dma_start3A_276, %add3A_273, %dma_start3A_281] : memref<3x65536x256xf32, #tpu.memory_space<hbm>> -> memref<1x64x256xf32, #tpu.memory_space<hbm>>
      %dma_start3A_283 = tpu.memref_squeeze %dma_start3A_282 : memref<1x64x256xf32, #tpu.memory_space<hbm>> -> memref<64x256xf32, #tpu.memory_space<hbm>>
      %dma_start3A_284 = arith.constant 0 : i32
      %dma_start3A_285 = tpu.memref_slice %arg4[%dma_start3A_276, %add3A_273, %dma_start3A_284] : memref<3x65536x256xf32, #tpu.memory_space<hbm>> -> memref<1x64x256xf32, #tpu.memory_space<hbm>>
      %dma_start3A_286 = tpu.memref_squeeze %dma_start3A_285 : memref<1x64x256xf32, #tpu.memory_space<hbm>> -> memref<64x256xf32, #tpu.memory_space<hbm>>
      %dma_start3A_287 = arith.constant 0 : i32
      %dma_start3A_288 = arith.constant 0 : i32
      %dma_start3A_289 = tpu.memref_slice %arg6[%dma_start3A_274, %dma_start3A_275, %dma_start3A_287, %dma_start3A_288] : memref<2x3x64x256xf32, #tpu.memory_space<vmem>> -> memref<1x1x64x256xf32, #tpu.memory_space<vmem>>
      %dma_start3A_290 = tpu.memref_squeeze %dma_start3A_289 : memref<1x1x64x256xf32, #tpu.memory_space<vmem>> -> memref<64x256xf32, #tpu.memory_space<vmem>>
      tpu.enqueue_dma source(%dma_start3A_290 : memref<64x256xf32, #tpu.memory_space<vmem>>) target(%dma_start3A_286 : memref<64x256xf32, #tpu.memory_space<hbm>>) target_semaphore(%arg9 : memref<!tpu.dma_semaphore, #tpu.memory_space<semaphore_mem>>)
      %add3A_291 = arith.addi %mul3A_2, %mul3A_272 : i32
      %dma_start3A_292 = arith.constant 0 : i32
      %dma_start3A_293 = arith.constant 1 : i32
      %dma_start3A_294 = arith.constant 1 : i32
      %dma_start3A_295 = arith.constant 0 : i32
      %dma_start3A_296 = arith.constant 0 : i32
      %dma_start3A_297 = tpu.memref_slice %arg6[%dma_start3A_292, %dma_start3A_293, %dma_start3A_295, %dma_start3A_296] : memref<2x3x64x256xf32, #tpu.memory_space<vmem>> -> memref<1x1x64x256xf32, #tpu.memory_space<vmem>>
      %dma_start3A_298 = tpu.memref_squeeze %dma_start3A_297 : memref<1x1x64x256xf32, #tpu.memory_space<vmem>> -> memref<64x256xf32, #tpu.memory_space<vmem>>
      %dma_start3A_299 = arith.constant 0 : i32
      %dma_start3A_300 = tpu.memref_slice %arg4[%dma_start3A_294, %add3A_291, %dma_start3A_299] : memref<3x65536x256xf32, #tpu.memory_space<hbm>> -> memref<1x64x256xf32, #tpu.memory_space<hbm>>
      %dma_start3A_301 = tpu.memref_squeeze %dma_start3A_300 : memref<1x64x256xf32, #tpu.memory_space<hbm>> -> memref<64x256xf32, #tpu.memory_space<hbm>>
      %dma_start3A_302 = arith.constant 0 : i32
      %dma_start3A_303 = tpu.memref_slice %arg4[%dma_start3A_294, %add3A_291, %dma_start3A_302] : memref<3x65536x256xf32, #tpu.memory_space<hbm>> -> memref<1x64x256xf32, #tpu.memory_space<hbm>>
      %dma_start3A_304 = tpu.memref_squeeze %dma_start3A_303 : memref<1x64x256xf32, #tpu.memory_space<hbm>> -> memref<64x256xf32, #tpu.memory_space<hbm>>
      %dma_start3A_305 = arith.constant 0 : i32
      %dma_start3A_306 = arith.constant 0 : i32
      %dma_start3A_307 = tpu.memref_slice %arg6[%dma_start3A_292, %dma_start3A_293, %dma_start3A_305, %dma_start3A_306] : memref<2x3x64x256xf32, #tpu.memory_space<vmem>> -> memref<1x1x64x256xf32, #tpu.memory_space<vmem>>
      %dma_start3A_308 = tpu.memref_squeeze %dma_start3A_307 : memref<1x1x64x256xf32, #tpu.memory_space<vmem>> -> memref<64x256xf32, #tpu.memory_space<vmem>>
      tpu.enqueue_dma source(%dma_start3A_308 : memref<64x256xf32, #tpu.memory_space<vmem>>) target(%dma_start3A_304 : memref<64x256xf32, #tpu.memory_space<hbm>>) target_semaphore(%arg9 : memref<!tpu.dma_semaphore, #tpu.memory_space<semaphore_mem>>)
      %add3A_309 = arith.addi %mul3A_2, %mul3A_272 : i32
      %dma_start3A_310 = arith.constant 0 : i32
      %dma_start3A_311 = arith.constant 2 : i32
      %dma_start3A_312 = arith.constant 2 : i32
      %dma_start3A_313 = arith.constant 0 : i32
      %dma_start3A_314 = arith.constant 0 : i32
      %dma_start3A_315 = tpu.memref_slice %arg6[%dma_start3A_310, %dma_start3A_311, %dma_start3A_313, %dma_start3A_314] : memref<2x3x64x256xf32, #tpu.memory_space<vmem>> -> memref<1x1x64x256xf32, #tpu.memory_space<vmem>>
      %dma_start3A_316 = tpu.memref_squeeze %dma_start3A_315 : memref<1x1x64x256xf32, #tpu.memory_space<vmem>> -> memref<64x256xf32, #tpu.memory_space<vmem>>
      %dma_start3A_317 = arith.constant 0 : i32
      %dma_start3A_318 = tpu.memref_slice %arg4[%dma_start3A_312, %add3A_309, %dma_start3A_317] : memref<3x65536x256xf32, #tpu.memory_space<hbm>> -> memref<1x64x256xf32, #tpu.memory_space<hbm>>
      %dma_start3A_319 = tpu.memref_squeeze %dma_start3A_318 : memref<1x64x256xf32, #tpu.memory_space<hbm>> -> memref<64x256xf32, #tpu.memory_space<hbm>>
      %dma_start3A_320 = arith.constant 0 : i32
      %dma_start3A_321 = tpu.memref_slice %arg4[%dma_start3A_312, %add3A_309, %dma_start3A_320] : memref<3x65536x256xf32, #tpu.memory_space<hbm>> -> memref<1x64x256xf32, #tpu.memory_space<hbm>>
      %dma_start3A_322 = tpu.memref_squeeze %dma_start3A_321 : memref<1x64x256xf32, #tpu.memory_space<hbm>> -> memref<64x256xf32, #tpu.memory_space<hbm>>
      %dma_start3A_323 = arith.constant 0 : i32
      %dma_start3A_324 = arith.constant 0 : i32
      %dma_start3A_325 = tpu.memref_slice %arg6[%dma_start3A_310, %dma_start3A_311, %dma_start3A_323, %dma_start3A_324] : memref<2x3x64x256xf32, #tpu.memory_space<vmem>> -> memref<1x1x64x256xf32, #tpu.memory_space<vmem>>
      %dma_start3A_326 = tpu.memref_squeeze %dma_start3A_325 : memref<1x1x64x256xf32, #tpu.memory_space<vmem>> -> memref<64x256xf32, #tpu.memory_space<vmem>>
      tpu.enqueue_dma source(%dma_start3A_326 : memref<64x256xf32, #tpu.memory_space<vmem>>) target(%dma_start3A_322 : memref<64x256xf32, #tpu.memory_space<hbm>>) target_semaphore(%arg9 : memref<!tpu.dma_semaphore, #tpu.memory_space<semaphore_mem>>)
      %add3A_327 = arith.constant 2 : i32
      %add3A_328 = arith.addi %mul3A_180, %add3A_327 : i32
      %lt3A = arith.constant 32 : i32
      %lt3A_329 = arith.cmpi slt, %add3A_328, %lt3A : i32
      %convert_element_type3A_330 = arith.extui %lt3A_329 : i1 to i32
      %cond3A_331 = arith.constant 0 : i32
      %cond3A_332 = arith.cmpi ne, %convert_element_type3A_330, %cond3A_331 : i32
      scf.if %cond3A_332 {
        %dma_wait3A_439 = arith.constant 0 : i32
        %dma_wait3A_440 = arith.constant 0 : i32
        %dma_wait3A_441 = arith.constant 0 : i32
        %dma_wait3A_442 = arith.constant 0 : i32
        %dma_wait3A_443 = arith.constant 0 : i32
        %dma_wait3A_444 = tpu.memref_slice %arg6[%dma_wait3A_439, %dma_wait3A_440, %dma_wait3A_442, %dma_wait3A_443] : memref<2x3x64x256xf32, #tpu.memory_space<vmem>> -> memref<1x1x64x256xf32, #tpu.memory_space<vmem>>
        %dma_wait3A_445 = tpu.memref_squeeze %dma_wait3A_444 : memref<1x1x64x256xf32, #tpu.memory_space<vmem>> -> memref<64x256xf32, #tpu.memory_space<vmem>>
        %dma_wait3A_446 = arith.constant 0 : i32
        %dma_wait3A_447 = arith.constant 0 : i32
        %dma_wait3A_448 = tpu.memref_slice %arg4[%dma_wait3A_441, %dma_wait3A_446, %dma_wait3A_447] : memref<3x65536x256xf32, #tpu.memory_space<hbm>> -> memref<1x64x256xf32, #tpu.memory_space<hbm>>
        %dma_wait3A_449 = tpu.memref_squeeze %dma_wait3A_448 : memref<1x64x256xf32, #tpu.memory_space<hbm>> -> memref<64x256xf32, #tpu.memory_space<hbm>>
        %dma_wait3A_450 = arith.constant 0 : i32
        %dma_wait3A_451 = arith.constant 0 : i32
        %dma_wait3A_452 = tpu.memref_slice %arg4[%dma_wait3A_441, %dma_wait3A_450, %dma_wait3A_451] : memref<3x65536x256xf32, #tpu.memory_space<hbm>> -> memref<1x64x256xf32, #tpu.memory_space<hbm>>
        %dma_wait3A_453 = tpu.memref_squeeze %dma_wait3A_452 : memref<1x64x256xf32, #tpu.memory_space<hbm>> -> memref<64x256xf32, #tpu.memory_space<hbm>>
        %dma_wait3A_454 = arith.constant 0 : i32
        %dma_wait3A_455 = arith.constant 0 : i32
        %dma_wait3A_456 = tpu.memref_slice %arg6[%dma_wait3A_439, %dma_wait3A_440, %dma_wait3A_454, %dma_wait3A_455] : memref<2x3x64x256xf32, #tpu.memory_space<vmem>> -> memref<1x1x64x256xf32, #tpu.memory_space<vmem>>
        %dma_wait3A_457 = tpu.memref_squeeze %dma_wait3A_456 : memref<1x1x64x256xf32, #tpu.memory_space<vmem>> -> memref<64x256xf32, #tpu.memory_space<vmem>>
        tpu.wait_dma2 semaphore(%arg9 : memref<!tpu.dma_semaphore, #tpu.memory_space<semaphore_mem>>) src(%dma_wait3A_457 : memref<64x256xf32, #tpu.memory_space<vmem>>) dst(%dma_wait3A_453 : memref<64x256xf32, #tpu.memory_space<hbm>>)
        %dma_wait3A_458 = arith.constant 0 : i32
        %dma_wait3A_459 = arith.constant 1 : i32
        %dma_wait3A_460 = arith.constant 0 : i32
        %dma_wait3A_461 = arith.constant 0 : i32
        %dma_wait3A_462 = arith.constant 0 : i32
        %dma_wait3A_463 = tpu.memref_slice %arg6[%dma_wait3A_458, %dma_wait3A_459, %dma_wait3A_461, %dma_wait3A_462] : memref<2x3x64x256xf32, #tpu.memory_space<vmem>> -> memref<1x1x64x256xf32, #tpu.memory_space<vmem>>
        %dma_wait3A_464 = tpu.memref_squeeze %dma_wait3A_463 : memref<1x1x64x256xf32, #tpu.memory_space<vmem>> -> memref<64x256xf32, #tpu.memory_space<vmem>>
        %dma_wait3A_465 = arith.constant 0 : i32
        %dma_wait3A_466 = arith.constant 0 : i32
        %dma_wait3A_467 = tpu.memref_slice %arg4[%dma_wait3A_460, %dma_wait3A_465, %dma_wait3A_466] : memref<3x65536x256xf32, #tpu.memory_space<hbm>> -> memref<1x64x256xf32, #tpu.memory_space<hbm>>
        %dma_wait3A_468 = tpu.memref_squeeze %dma_wait3A_467 : memref<1x64x256xf32, #tpu.memory_space<hbm>> -> memref<64x256xf32, #tpu.memory_space<hbm>>
        %dma_wait3A_469 = arith.constant 0 : i32
        %dma_wait3A_470 = arith.constant 0 : i32
        %dma_wait3A_471 = tpu.memref_slice %arg4[%dma_wait3A_460, %dma_wait3A_469, %dma_wait3A_470] : memref<3x65536x256xf32, #tpu.memory_space<hbm>> -> memref<1x64x256xf32, #tpu.memory_space<hbm>>
        %dma_wait3A_472 = tpu.memref_squeeze %dma_wait3A_471 : memref<1x64x256xf32, #tpu.memory_space<hbm>> -> memref<64x256xf32, #tpu.memory_space<hbm>>
        %dma_wait3A_473 = arith.constant 0 : i32
        %dma_wait3A_474 = arith.constant 0 : i32
        %dma_wait3A_475 = tpu.memref_slice %arg6[%dma_wait3A_458, %dma_wait3A_459, %dma_wait3A_473, %dma_wait3A_474] : memref<2x3x64x256xf32, #tpu.memory_space<vmem>> -> memref<1x1x64x256xf32, #tpu.memory_space<vmem>>
        %dma_wait3A_476 = tpu.memref_squeeze %dma_wait3A_475 : memref<1x1x64x256xf32, #tpu.memory_space<vmem>> -> memref<64x256xf32, #tpu.memory_space<vmem>>
        tpu.wait_dma2 semaphore(%arg9 : memref<!tpu.dma_semaphore, #tpu.memory_space<semaphore_mem>>) src(%dma_wait3A_476 : memref<64x256xf32, #tpu.memory_space<vmem>>) dst(%dma_wait3A_472 : memref<64x256xf32, #tpu.memory_space<hbm>>)
        %dma_wait3A_477 = arith.constant 0 : i32
        %dma_wait3A_478 = arith.constant 2 : i32
        %dma_wait3A_479 = arith.constant 0 : i32
        %dma_wait3A_480 = arith.constant 0 : i32
        %dma_wait3A_481 = arith.constant 0 : i32
        %dma_wait3A_482 = tpu.memref_slice %arg6[%dma_wait3A_477, %dma_wait3A_478, %dma_wait3A_480, %dma_wait3A_481] : memref<2x3x64x256xf32, #tpu.memory_space<vmem>> -> memref<1x1x64x256xf32, #tpu.memory_space<vmem>>
        %dma_wait3A_483 = tpu.memref_squeeze %dma_wait3A_482 : memref<1x1x64x256xf32, #tpu.memory_space<vmem>> -> memref<64x256xf32, #tpu.memory_space<vmem>>
        %dma_wait3A_484 = arith.constant 0 : i32
        %dma_wait3A_485 = arith.constant 0 : i32
        %dma_wait3A_486 = tpu.memref_slice %arg4[%dma_wait3A_479, %dma_wait3A_484, %dma_wait3A_485] : memref<3x65536x256xf32, #tpu.memory_space<hbm>> -> memref<1x64x256xf32, #tpu.memory_space<hbm>>
        %dma_wait3A_487 = tpu.memref_squeeze %dma_wait3A_486 : memref<1x64x256xf32, #tpu.memory_space<hbm>> -> memref<64x256xf32, #tpu.memory_space<hbm>>
        %dma_wait3A_488 = arith.constant 0 : i32
        %dma_wait3A_489 = arith.constant 0 : i32
        %dma_wait3A_490 = tpu.memref_slice %arg4[%dma_wait3A_479, %dma_wait3A_488, %dma_wait3A_489] : memref<3x65536x256xf32, #tpu.memory_space<hbm>> -> memref<1x64x256xf32, #tpu.memory_space<hbm>>
        %dma_wait3A_491 = tpu.memref_squeeze %dma_wait3A_490 : memref<1x64x256xf32, #tpu.memory_space<hbm>> -> memref<64x256xf32, #tpu.memory_space<hbm>>
        %dma_wait3A_492 = arith.constant 0 : i32
        %dma_wait3A_493 = arith.constant 0 : i32
        %dma_wait3A_494 = tpu.memref_slice %arg6[%dma_wait3A_477, %dma_wait3A_478, %dma_wait3A_492, %dma_wait3A_493] : memref<2x3x64x256xf32, #tpu.memory_space<vmem>> -> memref<1x1x64x256xf32, #tpu.memory_space<vmem>>
        %dma_wait3A_495 = tpu.memref_squeeze %dma_wait3A_494 : memref<1x1x64x256xf32, #tpu.memory_space<vmem>> -> memref<64x256xf32, #tpu.memory_space<vmem>>
        tpu.wait_dma2 semaphore(%arg9 : memref<!tpu.dma_semaphore, #tpu.memory_space<semaphore_mem>>) src(%dma_wait3A_495 : memref<64x256xf32, #tpu.memory_space<vmem>>) dst(%dma_wait3A_491 : memref<64x256xf32, #tpu.memory_space<hbm>>)
        %add3A_496 = arith.constant 2 : i32
        %add3A_497 = arith.addi %mul3A_180, %add3A_496 : i32
        %mul3A_498 = arith.constant 64 : i32
        %mul3A_499 = arith.muli %add3A_497, %mul3A_498 : i32
        %dma_start3A_500 = arith.constant 0 : i32
        %dma_start3A_501 = arith.constant 0 : i32
        %dma_start3A_502 = arith.constant 0 : i32
        %dma_start3A_503 = arith.constant 0 : i32
        %dma_start3A_504 = arith.constant 0 : i32
        %dma_start3A_505 = tpu.memref_slice %arg6[%dma_start3A_501, %dma_start3A_502, %dma_start3A_503, %dma_start3A_504] : memref<2x3x64x256xf32, #tpu.memory_space<vmem>> -> memref<1x1x64x256xf32, #tpu.memory_space<vmem>>
        %dma_start3A_506 = tpu.memref_squeeze %dma_start3A_505 : memref<1x1x64x256xf32, #tpu.memory_space<vmem>> -> memref<64x256xf32, #tpu.memory_space<vmem>>
        %dma_start3A_507 = tpu.memref_slice %arg5[%dma_start3A_500, %mul3A_499] : memref<3x2048xi32, #tpu.memory_space<vmem>> -> memref<1x64xi32, #tpu.memory_space<vmem>>
        %dma_start3A_508 = tpu.memref_squeeze %dma_start3A_507 : memref<1x64xi32, #tpu.memory_space<vmem>> -> memref<64xi32, #tpu.memory_space<vmem>>
        %dma_start3A_509 = arith.constant 0 : i32
        %dma_start3A_510 = arith.constant 0 : i32
        %dma_start3A_511 = tpu.memref_slice %arg3[%dma_start3A_509, %dma_start3A_510] : memref<8192x256xf32, #tpu.memory_space<hbm>> -> memref<8192x256xf32, #tpu.memory_space<hbm>>
        tpu.enqueue_indirect_dma source(%dma_start3A_511 : memref<8192x256xf32, #tpu.memory_space<hbm>>) target(%dma_start3A_506 : memref<64x256xf32, #tpu.memory_space<vmem>>) offsets(%dma_start3A_508 : memref<64xi32, #tpu.memory_space<vmem>>) semaphore(%arg7 : memref<!tpu.dma_semaphore, #tpu.memory_space<semaphore_mem>>)
        %dma_start3A_512 = arith.constant 1 : i32
        %dma_start3A_513 = arith.constant 0 : i32
        %dma_start3A_514 = arith.constant 1 : i32
        %dma_start3A_515 = arith.constant 0 : i32
        %dma_start3A_516 = arith.constant 0 : i32
        %dma_start3A_517 = tpu.memref_slice %arg6[%dma_start3A_513, %dma_start3A_514, %dma_start3A_515, %dma_start3A_516] : memref<2x3x64x256xf32, #tpu.memory_space<vmem>> -> memref<1x1x64x256xf32, #tpu.memory_space<vmem>>
        %dma_start3A_518 = tpu.memref_squeeze %dma_start3A_517 : memref<1x1x64x256xf32, #tpu.memory_space<vmem>> -> memref<64x256xf32, #tpu.memory_space<vmem>>
        %dma_start3A_519 = tpu.memref_slice %arg5[%dma_start3A_512, %mul3A_499] : memref<3x2048xi32, #tpu.memory_space<vmem>> -> memref<1x64xi32, #tpu.memory_space<vmem>>
        %dma_start3A_520 = tpu.memref_squeeze %dma_start3A_519 : memref<1x64xi32, #tpu.memory_space<vmem>> -> memref<64xi32, #tpu.memory_space<vmem>>
        %dma_start3A_521 = arith.constant 0 : i32
        %dma_start3A_522 = arith.constant 0 : i32
        %dma_start3A_523 = tpu.memref_slice %arg3[%dma_start3A_521, %dma_start3A_522] : memref<8192x256xf32, #tpu.memory_space<hbm>> -> memref<8192x256xf32, #tpu.memory_space<hbm>>
        tpu.enqueue_indirect_dma source(%dma_start3A_523 : memref<8192x256xf32, #tpu.memory_space<hbm>>) target(%dma_start3A_518 : memref<64x256xf32, #tpu.memory_space<vmem>>) offsets(%dma_start3A_520 : memref<64xi32, #tpu.memory_space<vmem>>) semaphore(%arg7 : memref<!tpu.dma_semaphore, #tpu.memory_space<semaphore_mem>>)
        %dma_start3A_524 = arith.constant 2 : i32
        %dma_start3A_525 = arith.constant 0 : i32
        %dma_start3A_526 = arith.constant 2 : i32
        %dma_start3A_527 = arith.constant 0 : i32
        %dma_start3A_528 = arith.constant 0 : i32
        %dma_start3A_529 = tpu.memref_slice %arg6[%dma_start3A_525, %dma_start3A_526, %dma_start3A_527, %dma_start3A_528] : memref<2x3x64x256xf32, #tpu.memory_space<vmem>> -> memref<1x1x64x256xf32, #tpu.memory_space<vmem>>
        %dma_start3A_530 = tpu.memref_squeeze %dma_start3A_529 : memref<1x1x64x256xf32, #tpu.memory_space<vmem>> -> memref<64x256xf32, #tpu.memory_space<vmem>>
        %dma_start3A_531 = tpu.memref_slice %arg5[%dma_start3A_524, %mul3A_499] : memref<3x2048xi32, #tpu.memory_space<vmem>> -> memref<1x64xi32, #tpu.memory_space<vmem>>
        %dma_start3A_532 = tpu.memref_squeeze %dma_start3A_531 : memref<1x64xi32, #tpu.memory_space<vmem>> -> memref<64xi32, #tpu.memory_space<vmem>>
        %dma_start3A_533 = arith.constant 0 : i32
        %dma_start3A_534 = arith.constant 0 : i32
        %dma_start3A_535 = tpu.memref_slice %arg3[%dma_start3A_533, %dma_start3A_534] : memref<8192x256xf32, #tpu.memory_space<hbm>> -> memref<8192x256xf32, #tpu.memory_space<hbm>>
        tpu.enqueue_indirect_dma source(%dma_start3A_535 : memref<8192x256xf32, #tpu.memory_space<hbm>>) target(%dma_start3A_530 : memref<64x256xf32, #tpu.memory_space<vmem>>) offsets(%dma_start3A_532 : memref<64xi32, #tpu.memory_space<vmem>>) semaphore(%arg7 : memref<!tpu.dma_semaphore, #tpu.memory_space<semaphore_mem>>)
      } else {
      }
      %dma_wait3A_333 = arith.constant 1 : i32
      %dma_wait3A_334 = arith.constant 0 : i32
      %dma_wait3A_335 = arith.constant 0 : i32
      %dma_wait3A_336 = arith.constant 0 : i32
      %dma_wait3A_337 = tpu.memref_slice %arg6[%dma_wait3A_333, %dma_wait3A_334, %dma_wait3A_335, %dma_wait3A_336] : memref<2x3x64x256xf32, #tpu.memory_space<vmem>> -> memref<1x1x64x256xf32, #tpu.memory_space<vmem>>
      %dma_wait3A_338 = tpu.memref_squeeze %dma_wait3A_337 : memref<1x1x64x256xf32, #tpu.memory_space<vmem>> -> memref<64x256xf32, #tpu.memory_space<vmem>>
      %dma_wait3A_339 = arith.constant 0 : i32
      %dma_wait3A_340 = arith.constant 0 : i32
      %dma_wait3A_341 = tpu.memref_slice %arg3[%dma_wait3A_339, %dma_wait3A_340] : memref<8192x256xf32, #tpu.memory_space<hbm>> -> memref<64x256xf32, #tpu.memory_space<hbm>>
      %dma_wait3A_342 = arith.constant 0 : i32
      %dma_wait3A_343 = arith.constant 0 : i32
      %dma_wait3A_344 = tpu.memref_slice %arg6[%dma_wait3A_333, %dma_wait3A_334, %dma_wait3A_342, %dma_wait3A_343] : memref<2x3x64x256xf32, #tpu.memory_space<vmem>> -> memref<1x1x64x256xf32, #tpu.memory_space<vmem>>
      %dma_wait3A_345 = tpu.memref_squeeze %dma_wait3A_344 : memref<1x1x64x256xf32, #tpu.memory_space<vmem>> -> memref<64x256xf32, #tpu.memory_space<vmem>>
      %dma_wait3A_346 = arith.constant 0 : i32
      %dma_wait3A_347 = arith.constant 0 : i32
      %dma_wait3A_348 = tpu.memref_slice %arg3[%dma_wait3A_346, %dma_wait3A_347] : memref<8192x256xf32, #tpu.memory_space<hbm>> -> memref<64x256xf32, #tpu.memory_space<hbm>>
      tpu.wait_dma2 semaphore(%arg8 : memref<!tpu.dma_semaphore, #tpu.memory_space<semaphore_mem>>) src(%dma_wait3A_348 : memref<64x256xf32, #tpu.memory_space<hbm>>) dst(%dma_wait3A_345 : memref<64x256xf32, #tpu.memory_space<vmem>>)
      %dma_wait3A_349 = arith.constant 1 : i32
      %dma_wait3A_350 = arith.constant 1 : i32
      %dma_wait3A_351 = arith.constant 0 : i32
      %dma_wait3A_352 = arith.constant 0 : i32
      %dma_wait3A_353 = tpu.memref_slice %arg6[%dma_wait3A_349, %dma_wait3A_350, %dma_wait3A_351, %dma_wait3A_352] : memref<2x3x64x256xf32, #tpu.memory_space<vmem>> -> memref<1x1x64x256xf32, #tpu.memory_space<vmem>>
      %dma_wait3A_354 = tpu.memref_squeeze %dma_wait3A_353 : memref<1x1x64x256xf32, #tpu.memory_space<vmem>> -> memref<64x256xf32, #tpu.memory_space<vmem>>
      %dma_wait3A_355 = arith.constant 0 : i32
      %dma_wait3A_356 = arith.constant 0 : i32
      %dma_wait3A_357 = tpu.memref_slice %arg3[%dma_wait3A_355, %dma_wait3A_356] : memref<8192x256xf32, #tpu.memory_space<hbm>> -> memref<64x256xf32, #tpu.memory_space<hbm>>
      %dma_wait3A_358 = arith.constant 0 : i32
      %dma_wait3A_359 = arith.constant 0 : i32
      %dma_wait3A_360 = tpu.memref_slice %arg6[%dma_wait3A_349, %dma_wait3A_350, %dma_wait3A_358, %dma_wait3A_359] : memref<2x3x64x256xf32, #tpu.memory_space<vmem>> -> memref<1x1x64x256xf32, #tpu.memory_space<vmem>>
      %dma_wait3A_361 = tpu.memref_squeeze %dma_wait3A_360 : memref<1x1x64x256xf32, #tpu.memory_space<vmem>> -> memref<64x256xf32, #tpu.memory_space<vmem>>
      %dma_wait3A_362 = arith.constant 0 : i32
      %dma_wait3A_363 = arith.constant 0 : i32
      %dma_wait3A_364 = tpu.memref_slice %arg3[%dma_wait3A_362, %dma_wait3A_363] : memref<8192x256xf32, #tpu.memory_space<hbm>> -> memref<64x256xf32, #tpu.memory_space<hbm>>
      tpu.wait_dma2 semaphore(%arg8 : memref<!tpu.dma_semaphore, #tpu.memory_space<semaphore_mem>>) src(%dma_wait3A_364 : memref<64x256xf32, #tpu.memory_space<hbm>>) dst(%dma_wait3A_361 : memref<64x256xf32, #tpu.memory_space<vmem>>)
      %dma_wait3A_365 = arith.constant 1 : i32
      %dma_wait3A_366 = arith.constant 2 : i32
      %dma_wait3A_367 = arith.constant 0 : i32
      %dma_wait3A_368 = arith.constant 0 : i32
      %dma_wait3A_369 = tpu.memref_slice %arg6[%dma_wait3A_365, %dma_wait3A_366, %dma_wait3A_367, %dma_wait3A_368] : memref<2x3x64x256xf32, #tpu.memory_space<vmem>> -> memref<1x1x64x256xf32, #tpu.memory_space<vmem>>
      %dma_wait3A_370 = tpu.memref_squeeze %dma_wait3A_369 : memref<1x1x64x256xf32, #tpu.memory_space<vmem>> -> memref<64x256xf32, #tpu.memory_space<vmem>>
      %dma_wait3A_371 = arith.constant 0 : i32
      %dma_wait3A_372 = arith.constant 0 : i32
      %dma_wait3A_373 = tpu.memref_slice %arg3[%dma_wait3A_371, %dma_wait3A_372] : memref<8192x256xf32, #tpu.memory_space<hbm>> -> memref<64x256xf32, #tpu.memory_space<hbm>>
      %dma_wait3A_374 = arith.constant 0 : i32
      %dma_wait3A_375 = arith.constant 0 : i32
      %dma_wait3A_376 = tpu.memref_slice %arg6[%dma_wait3A_365, %dma_wait3A_366, %dma_wait3A_374, %dma_wait3A_375] : memref<2x3x64x256xf32, #tpu.memory_space<vmem>> -> memref<1x1x64x256xf32, #tpu.memory_space<vmem>>
      %dma_wait3A_377 = tpu.memref_squeeze %dma_wait3A_376 : memref<1x1x64x256xf32, #tpu.memory_space<vmem>> -> memref<64x256xf32, #tpu.memory_space<vmem>>
      %dma_wait3A_378 = arith.constant 0 : i32
      %dma_wait3A_379 = arith.constant 0 : i32
      %dma_wait3A_380 = tpu.memref_slice %arg3[%dma_wait3A_378, %dma_wait3A_379] : memref<8192x256xf32, #tpu.memory_space<hbm>> -> memref<64x256xf32, #tpu.memory_space<hbm>>
      tpu.wait_dma2 semaphore(%arg8 : memref<!tpu.dma_semaphore, #tpu.memory_space<semaphore_mem>>) src(%dma_wait3A_380 : memref<64x256xf32, #tpu.memory_space<hbm>>) dst(%dma_wait3A_377 : memref<64x256xf32, #tpu.memory_space<vmem>>)
      %add3A_381 = arith.constant 1 : i32
      %add3A_382 = arith.addi %mul3A_180, %add3A_381 : i32
      %mul3A_383 = arith.constant 64 : i32
      %mul3A_384 = arith.muli %add3A_382, %mul3A_383 : i32
      %add3A_385 = arith.addi %mul3A_2, %mul3A_384 : i32
      %dma_start3A_386 = arith.constant 1 : i32
      %dma_start3A_387 = arith.constant 0 : i32
      %dma_start3A_388 = arith.constant 0 : i32
      %dma_start3A_389 = arith.constant 0 : i32
      %dma_start3A_390 = arith.constant 0 : i32
      %dma_start3A_391 = tpu.memref_slice %arg6[%dma_start3A_386, %dma_start3A_387, %dma_start3A_389, %dma_start3A_390] : memref<2x3x64x256xf32, #tpu.memory_space<vmem>> -> memref<1x1x64x256xf32, #tpu.memory_space<vmem>>
      %dma_start3A_392 = tpu.memref_squeeze %dma_start3A_391 : memref<1x1x64x256xf32, #tpu.memory_space<vmem>> -> memref<64x256xf32, #tpu.memory_space<vmem>>
      %dma_start3A_393 = arith.constant 0 : i32
      %dma_start3A_394 = tpu.memref_slice %arg4[%dma_start3A_388, %add3A_385, %dma_start3A_393] : memref<3x65536x256xf32, #tpu.memory_space<hbm>> -> memref<1x64x256xf32, #tpu.memory_space<hbm>>
      %dma_start3A_395 = tpu.memref_squeeze %dma_start3A_394 : memref<1x64x256xf32, #tpu.memory_space<hbm>> -> memref<64x256xf32, #tpu.memory_space<hbm>>
      %dma_start3A_396 = arith.constant 0 : i32
      %dma_start3A_397 = tpu.memref_slice %arg4[%dma_start3A_388, %add3A_385, %dma_start3A_396] : memref<3x65536x256xf32, #tpu.memory_space<hbm>> -> memref<1x64x256xf32, #tpu.memory_space<hbm>>
      %dma_start3A_398 = tpu.memref_squeeze %dma_start3A_397 : memref<1x64x256xf32, #tpu.memory_space<hbm>> -> memref<64x256xf32, #tpu.memory_space<hbm>>
      %dma_start3A_399 = arith.constant 0 : i32
      %dma_start3A_400 = arith.constant 0 : i32
      %dma_start3A_401 = tpu.memref_slice %arg6[%dma_start3A_386, %dma_start3A_387, %dma_start3A_399, %dma_start3A_400] : memref<2x3x64x256xf32, #tpu.memory_space<vmem>> -> memref<1x1x64x256xf32, #tpu.memory_space<vmem>>
      %dma_start3A_402 = tpu.memref_squeeze %dma_start3A_401 : memref<1x1x64x256xf32, #tpu.memory_space<vmem>> -> memref<64x256xf32, #tpu.memory_space<vmem>>
      tpu.enqueue_dma source(%dma_start3A_402 : memref<64x256xf32, #tpu.memory_space<vmem>>) target(%dma_start3A_398 : memref<64x256xf32, #tpu.memory_space<hbm>>) target_semaphore(%arg10 : memref<!tpu.dma_semaphore, #tpu.memory_space<semaphore_mem>>)
      %add3A_403 = arith.addi %mul3A_2, %mul3A_384 : i32
      %dma_start3A_404 = arith.constant 1 : i32
      %dma_start3A_405 = arith.constant 1 : i32
      %dma_start3A_406 = arith.constant 1 : i32
      %dma_start3A_407 = arith.constant 0 : i32
      %dma_start3A_408 = arith.constant 0 : i32
      %dma_start3A_409 = tpu.memref_slice %arg6[%dma_start3A_404, %dma_start3A_405, %dma_start3A_407, %dma_start3A_408] : memref<2x3x64x256xf32, #tpu.memory_space<vmem>> -> memref<1x1x64x256xf32, #tpu.memory_space<vmem>>
      %dma_start3A_410 = tpu.memref_squeeze %dma_start3A_409 : memref<1x1x64x256xf32, #tpu.memory_space<vmem>> -> memref<64x256xf32, #tpu.memory_space<vmem>>
      %dma_start3A_411 = arith.constant 0 : i32
      %dma_start3A_412 = tpu.memref_slice %arg4[%dma_start3A_406, %add3A_403, %dma_start3A_411] : memref<3x65536x256xf32, #tpu.memory_space<hbm>> -> memref<1x64x256xf32, #tpu.memory_space<hbm>>
      %dma_start3A_413 = tpu.memref_squeeze %dma_start3A_412 : memref<1x64x256xf32, #tpu.memory_space<hbm>> -> memref<64x256xf32, #tpu.memory_space<hbm>>
      %dma_start3A_414 = arith.constant 0 : i32
      %dma_start3A_415 = tpu.memref_slice %arg4[%dma_start3A_406, %add3A_403, %dma_start3A_414] : memref<3x65536x256xf32, #tpu.memory_space<hbm>> -> memref<1x64x256xf32, #tpu.memory_space<hbm>>
      %dma_start3A_416 = tpu.memref_squeeze %dma_start3A_415 : memref<1x64x256xf32, #tpu.memory_space<hbm>> -> memref<64x256xf32, #tpu.memory_space<hbm>>
      %dma_start3A_417 = arith.constant 0 : i32
      %dma_start3A_418 = arith.constant 0 : i32
      %dma_start3A_419 = tpu.memref_slice %arg6[%dma_start3A_404, %dma_start3A_405, %dma_start3A_417, %dma_start3A_418] : memref<2x3x64x256xf32, #tpu.memory_space<vmem>> -> memref<1x1x64x256xf32, #tpu.memory_space<vmem>>
      %dma_start3A_420 = tpu.memref_squeeze %dma_start3A_419 : memref<1x1x64x256xf32, #tpu.memory_space<vmem>> -> memref<64x256xf32, #tpu.memory_space<vmem>>
      tpu.enqueue_dma source(%dma_start3A_420 : memref<64x256xf32, #tpu.memory_space<vmem>>) target(%dma_start3A_416 : memref<64x256xf32, #tpu.memory_space<hbm>>) target_semaphore(%arg10 : memref<!tpu.dma_semaphore, #tpu.memory_space<semaphore_mem>>)
      %add3A_421 = arith.addi %mul3A_2, %mul3A_384 : i32
      %dma_start3A_422 = arith.constant 1 : i32
      %dma_start3A_423 = arith.constant 2 : i32
      %dma_start3A_424 = arith.constant 2 : i32
      %dma_start3A_425 = arith.constant 0 : i32
      %dma_start3A_426 = arith.constant 0 : i32
      %dma_start3A_427 = tpu.memref_slice %arg6[%dma_start3A_422, %dma_start3A_423, %dma_start3A_425, %dma_start3A_426] : memref<2x3x64x256xf32, #tpu.memory_space<vmem>> -> memref<1x1x64x256xf32, #tpu.memory_space<vmem>>
      %dma_start3A_428 = tpu.memref_squeeze %dma_start3A_427 : memref<1x1x64x256xf32, #tpu.memory_space<vmem>> -> memref<64x256xf32, #tpu.memory_space<vmem>>
      %dma_start3A_429 = arith.constant 0 : i32
      %dma_start3A_430 = tpu.memref_slice %arg4[%dma_start3A_424, %add3A_421, %dma_start3A_429] : memref<3x65536x256xf32, #tpu.memory_space<hbm>> -> memref<1x64x256xf32, #tpu.memory_space<hbm>>
      %dma_start3A_431 = tpu.memref_squeeze %dma_start3A_430 : memref<1x64x256xf32, #tpu.memory_space<hbm>> -> memref<64x256xf32, #tpu.memory_space<hbm>>
      %dma_start3A_432 = arith.constant 0 : i32
      %dma_start3A_433 = tpu.memref_slice %arg4[%dma_start3A_424, %add3A_421, %dma_start3A_432] : memref<3x65536x256xf32, #tpu.memory_space<hbm>> -> memref<1x64x256xf32, #tpu.memory_space<hbm>>
      %dma_start3A_434 = tpu.memref_squeeze %dma_start3A_433 : memref<1x64x256xf32, #tpu.memory_space<hbm>> -> memref<64x256xf32, #tpu.memory_space<hbm>>
      %dma_start3A_435 = arith.constant 0 : i32
      %dma_start3A_436 = arith.constant 0 : i32
      %dma_start3A_437 = tpu.memref_slice %arg6[%dma_start3A_422, %dma_start3A_423, %dma_start3A_435, %dma_start3A_436] : memref<2x3x64x256xf32, #tpu.memory_space<vmem>> -> memref<1x1x64x256xf32, #tpu.memory_space<vmem>>
      %dma_start3A_438 = tpu.memref_squeeze %dma_start3A_437 : memref<1x1x64x256xf32, #tpu.memory_space<vmem>> -> memref<64x256xf32, #tpu.memory_space<vmem>>
      tpu.enqueue_dma source(%dma_start3A_438 : memref<64x256xf32, #tpu.memory_space<vmem>>) target(%dma_start3A_434 : memref<64x256xf32, #tpu.memory_space<hbm>>) target_semaphore(%arg10 : memref<!tpu.dma_semaphore, #tpu.memory_space<semaphore_mem>>)
    }
    %scan3A_64 = arith.constant 16 : i32
    %dma_wait3A = arith.constant 0 : i32
    %dma_wait3A_65 = arith.constant 0 : i32
    %dma_wait3A_66 = arith.constant 0 : i32
    %dma_wait3A_67 = arith.constant 0 : i32
    %dma_wait3A_68 = arith.constant 0 : i32
    %dma_wait3A_69 = tpu.memref_slice %arg6[%dma_wait3A, %dma_wait3A_65, %dma_wait3A_67, %dma_wait3A_68] : memref<2x3x64x256xf32, #tpu.memory_space<vmem>> -> memref<1x1x64x256xf32, #tpu.memory_space<vmem>>
    %dma_wait3A_70 = tpu.memref_squeeze %dma_wait3A_69 : memref<1x1x64x256xf32, #tpu.memory_space<vmem>> -> memref<64x256xf32, #tpu.memory_space<vmem>>
    %dma_wait3A_71 = arith.constant 0 : i32
    %dma_wait3A_72 = arith.constant 0 : i32
    %dma_wait3A_73 = tpu.memref_slice %arg4[%dma_wait3A_66, %dma_wait3A_71, %dma_wait3A_72] : memref<3x65536x256xf32, #tpu.memory_space<hbm>> -> memref<1x64x256xf32, #tpu.memory_space<hbm>>
    %dma_wait3A_74 = tpu.memref_squeeze %dma_wait3A_73 : memref<1x64x256xf32, #tpu.memory_space<hbm>> -> memref<64x256xf32, #tpu.memory_space<hbm>>
    %dma_wait3A_75 = arith.constant 0 : i32
    %dma_wait3A_76 = arith.constant 0 : i32
    %dma_wait3A_77 = tpu.memref_slice %arg4[%dma_wait3A_66, %dma_wait3A_75, %dma_wait3A_76] : memref<3x65536x256xf32, #tpu.memory_space<hbm>> -> memref<1x64x256xf32, #tpu.memory_space<hbm>>
    %dma_wait3A_78 = tpu.memref_squeeze %dma_wait3A_77 : memref<1x64x256xf32, #tpu.memory_space<hbm>> -> memref<64x256xf32, #tpu.memory_space<hbm>>
    %dma_wait3A_79 = arith.constant 0 : i32
    %dma_wait3A_80 = arith.constant 0 : i32
    %dma_wait3A_81 = tpu.memref_slice %arg6[%dma_wait3A, %dma_wait3A_65, %dma_wait3A_79, %dma_wait3A_80] : memref<2x3x64x256xf32, #tpu.memory_space<vmem>> -> memref<1x1x64x256xf32, #tpu.memory_space<vmem>>
    %dma_wait3A_82 = tpu.memref_squeeze %dma_wait3A_81 : memref<1x1x64x256xf32, #tpu.memory_space<vmem>> -> memref<64x256xf32, #tpu.memory_space<vmem>>
    tpu.wait_dma2 semaphore(%arg9 : memref<!tpu.dma_semaphore, #tpu.memory_space<semaphore_mem>>) src(%dma_wait3A_82 : memref<64x256xf32, #tpu.memory_space<vmem>>) dst(%dma_wait3A_78 : memref<64x256xf32, #tpu.memory_space<hbm>>)
    %dma_wait3A_83 = arith.constant 0 : i32
    %dma_wait3A_84 = arith.constant 1 : i32
    %dma_wait3A_85 = arith.constant 0 : i32
    %dma_wait3A_86 = arith.constant 0 : i32
    %dma_wait3A_87 = arith.constant 0 : i32
    %dma_wait3A_88 = tpu.memref_slice %arg6[%dma_wait3A_83, %dma_wait3A_84, %dma_wait3A_86, %dma_wait3A_87] : memref<2x3x64x256xf32, #tpu.memory_space<vmem>> -> memref<1x1x64x256xf32, #tpu.memory_space<vmem>>
    %dma_wait3A_89 = tpu.memref_squeeze %dma_wait3A_88 : memref<1x1x64x256xf32, #tpu.memory_space<vmem>> -> memref<64x256xf32, #tpu.memory_space<vmem>>
    %dma_wait3A_90 = arith.constant 0 : i32
    %dma_wait3A_91 = arith.constant 0 : i32
    %dma_wait3A_92 = tpu.memref_slice %arg4[%dma_wait3A_85, %dma_wait3A_90, %dma_wait3A_91] : memref<3x65536x256xf32, #tpu.memory_space<hbm>> -> memref<1x64x256xf32, #tpu.memory_space<hbm>>
    %dma_wait3A_93 = tpu.memref_squeeze %dma_wait3A_92 : memref<1x64x256xf32, #tpu.memory_space<hbm>> -> memref<64x256xf32, #tpu.memory_space<hbm>>
    %dma_wait3A_94 = arith.constant 0 : i32
    %dma_wait3A_95 = arith.constant 0 : i32
    %dma_wait3A_96 = tpu.memref_slice %arg4[%dma_wait3A_85, %dma_wait3A_94, %dma_wait3A_95] : memref<3x65536x256xf32, #tpu.memory_space<hbm>> -> memref<1x64x256xf32, #tpu.memory_space<hbm>>
    %dma_wait3A_97 = tpu.memref_squeeze %dma_wait3A_96 : memref<1x64x256xf32, #tpu.memory_space<hbm>> -> memref<64x256xf32, #tpu.memory_space<hbm>>
    %dma_wait3A_98 = arith.constant 0 : i32
    %dma_wait3A_99 = arith.constant 0 : i32
    %dma_wait3A_100 = tpu.memref_slice %arg6[%dma_wait3A_83, %dma_wait3A_84, %dma_wait3A_98, %dma_wait3A_99] : memref<2x3x64x256xf32, #tpu.memory_space<vmem>> -> memref<1x1x64x256xf32, #tpu.memory_space<vmem>>
    %dma_wait3A_101 = tpu.memref_squeeze %dma_wait3A_100 : memref<1x1x64x256xf32, #tpu.memory_space<vmem>> -> memref<64x256xf32, #tpu.memory_space<vmem>>
    tpu.wait_dma2 semaphore(%arg9 : memref<!tpu.dma_semaphore, #tpu.memory_space<semaphore_mem>>) src(%dma_wait3A_101 : memref<64x256xf32, #tpu.memory_space<vmem>>) dst(%dma_wait3A_97 : memref<64x256xf32, #tpu.memory_space<hbm>>)
    %dma_wait3A_102 = arith.constant 0 : i32
    %dma_wait3A_103 = arith.constant 2 : i32
    %dma_wait3A_104 = arith.constant 0 : i32
    %dma_wait3A_105 = arith.constant 0 : i32
    %dma_wait3A_106 = arith.constant 0 : i32
    %dma_wait3A_107 = tpu.memref_slice %arg6[%dma_wait3A_102, %dma_wait3A_103, %dma_wait3A_105, %dma_wait3A_106] : memref<2x3x64x256xf32, #tpu.memory_space<vmem>> -> memref<1x1x64x256xf32, #tpu.memory_space<vmem>>
    %dma_wait3A_108 = tpu.memref_squeeze %dma_wait3A_107 : memref<1x1x64x256xf32, #tpu.memory_space<vmem>> -> memref<64x256xf32, #tpu.memory_space<vmem>>
    %dma_wait3A_109 = arith.constant 0 : i32
    %dma_wait3A_110 = arith.constant 0 : i32
    %dma_wait3A_111 = tpu.memref_slice %arg4[%dma_wait3A_104, %dma_wait3A_109, %dma_wait3A_110] : memref<3x65536x256xf32, #tpu.memory_space<hbm>> -> memref<1x64x256xf32, #tpu.memory_space<hbm>>
    %dma_wait3A_112 = tpu.memref_squeeze %dma_wait3A_111 : memref<1x64x256xf32, #tpu.memory_space<hbm>> -> memref<64x256xf32, #tpu.memory_space<hbm>>
    %dma_wait3A_113 = arith.constant 0 : i32
    %dma_wait3A_114 = arith.constant 0 : i32
    %dma_wait3A_115 = tpu.memref_slice %arg4[%dma_wait3A_104, %dma_wait3A_113, %dma_wait3A_114] : memref<3x65536x256xf32, #tpu.memory_space<hbm>> -> memref<1x64x256xf32, #tpu.memory_space<hbm>>
    %dma_wait3A_116 = tpu.memref_squeeze %dma_wait3A_115 : memref<1x64x256xf32, #tpu.memory_space<hbm>> -> memref<64x256xf32, #tpu.memory_space<hbm>>
    %dma_wait3A_117 = arith.constant 0 : i32
    %dma_wait3A_118 = arith.constant 0 : i32
    %dma_wait3A_119 = tpu.memref_slice %arg6[%dma_wait3A_102, %dma_wait3A_103, %dma_wait3A_117, %dma_wait3A_118] : memref<2x3x64x256xf32, #tpu.memory_space<vmem>> -> memref<1x1x64x256xf32, #tpu.memory_space<vmem>>
    %dma_wait3A_120 = tpu.memref_squeeze %dma_wait3A_119 : memref<1x1x64x256xf32, #tpu.memory_space<vmem>> -> memref<64x256xf32, #tpu.memory_space<vmem>>
    tpu.wait_dma2 semaphore(%arg9 : memref<!tpu.dma_semaphore, #tpu.memory_space<semaphore_mem>>) src(%dma_wait3A_120 : memref<64x256xf32, #tpu.memory_space<vmem>>) dst(%dma_wait3A_116 : memref<64x256xf32, #tpu.memory_space<hbm>>)
    %dma_wait3A_121 = arith.constant 1 : i32
    %dma_wait3A_122 = arith.constant 0 : i32
    %dma_wait3A_123 = arith.constant 0 : i32
    %dma_wait3A_124 = arith.constant 0 : i32
    %dma_wait3A_125 = arith.constant 0 : i32
    %dma_wait3A_126 = tpu.memref_slice %arg6[%dma_wait3A_121, %dma_wait3A_122, %dma_wait3A_124, %dma_wait3A_125] : memref<2x3x64x256xf32, #tpu.memory_space<vmem>> -> memref<1x1x64x256xf32, #tpu.memory_space<vmem>>
    %dma_wait3A_127 = tpu.memref_squeeze %dma_wait3A_126 : memref<1x1x64x256xf32, #tpu.memory_space<vmem>> -> memref<64x256xf32, #tpu.memory_space<vmem>>
    %dma_wait3A_128 = arith.constant 0 : i32
    %dma_wait3A_129 = arith.constant 0 : i32
    %dma_wait3A_130 = tpu.memref_slice %arg4[%dma_wait3A_123, %dma_wait3A_128, %dma_wait3A_129] : memref<3x65536x256xf32, #tpu.memory_space<hbm>> -> memref<1x64x256xf32, #tpu.memory_space<hbm>>
    %dma_wait3A_131 = tpu.memref_squeeze %dma_wait3A_130 : memref<1x64x256xf32, #tpu.memory_space<hbm>> -> memref<64x256xf32, #tpu.memory_space<hbm>>
    %dma_wait3A_132 = arith.constant 0 : i32
    %dma_wait3A_133 = arith.constant 0 : i32
    %dma_wait3A_134 = tpu.memref_slice %arg4[%dma_wait3A_123, %dma_wait3A_132, %dma_wait3A_133] : memref<3x65536x256xf32, #tpu.memory_space<hbm>> -> memref<1x64x256xf32, #tpu.memory_space<hbm>>
    %dma_wait3A_135 = tpu.memref_squeeze %dma_wait3A_134 : memref<1x64x256xf32, #tpu.memory_space<hbm>> -> memref<64x256xf32, #tpu.memory_space<hbm>>
    %dma_wait3A_136 = arith.constant 0 : i32
    %dma_wait3A_137 = arith.constant 0 : i32
    %dma_wait3A_138 = tpu.memref_slice %arg6[%dma_wait3A_121, %dma_wait3A_122, %dma_wait3A_136, %dma_wait3A_137] : memref<2x3x64x256xf32, #tpu.memory_space<vmem>> -> memref<1x1x64x256xf32, #tpu.memory_space<vmem>>
    %dma_wait3A_139 = tpu.memref_squeeze %dma_wait3A_138 : memref<1x1x64x256xf32, #tpu.memory_space<vmem>> -> memref<64x256xf32, #tpu.memory_space<vmem>>
    tpu.wait_dma2 semaphore(%arg10 : memref<!tpu.dma_semaphore, #tpu.memory_space<semaphore_mem>>) src(%dma_wait3A_139 : memref<64x256xf32, #tpu.memory_space<vmem>>) dst(%dma_wait3A_135 : memref<64x256xf32, #tpu.memory_space<hbm>>)
    %dma_wait3A_140 = arith.constant 1 : i32
    %dma_wait3A_141 = arith.constant 1 : i32
    %dma_wait3A_142 = arith.constant 0 : i32
    %dma_wait3A_143 = arith.constant 0 : i32
    %dma_wait3A_144 = arith.constant 0 : i32
    %dma_wait3A_145 = tpu.memref_slice %arg6[%dma_wait3A_140, %dma_wait3A_141, %dma_wait3A_143, %dma_wait3A_144] : memref<2x3x64x256xf32, #tpu.memory_space<vmem>> -> memref<1x1x64x256xf32, #tpu.memory_space<vmem>>
    %dma_wait3A_146 = tpu.memref_squeeze %dma_wait3A_145 : memref<1x1x64x256xf32, #tpu.memory_space<vmem>> -> memref<64x256xf32, #tpu.memory_space<vmem>>
    %dma_wait3A_147 = arith.constant 0 : i32
    %dma_wait3A_148 = arith.constant 0 : i32
    %dma_wait3A_149 = tpu.memref_slice %arg4[%dma_wait3A_142, %dma_wait3A_147, %dma_wait3A_148] : memref<3x65536x256xf32, #tpu.memory_space<hbm>> -> memref<1x64x256xf32, #tpu.memory_space<hbm>>
    %dma_wait3A_150 = tpu.memref_squeeze %dma_wait3A_149 : memref<1x64x256xf32, #tpu.memory_space<hbm>> -> memref<64x256xf32, #tpu.memory_space<hbm>>
    %dma_wait3A_151 = arith.constant 0 : i32
    %dma_wait3A_152 = arith.constant 0 : i32
    %dma_wait3A_153 = tpu.memref_slice %arg4[%dma_wait3A_142, %dma_wait3A_151, %dma_wait3A_152] : memref<3x65536x256xf32, #tpu.memory_space<hbm>> -> memref<1x64x256xf32, #tpu.memory_space<hbm>>
    %dma_wait3A_154 = tpu.memref_squeeze %dma_wait3A_153 : memref<1x64x256xf32, #tpu.memory_space<hbm>> -> memref<64x256xf32, #tpu.memory_space<hbm>>
    %dma_wait3A_155 = arith.constant 0 : i32
    %dma_wait3A_156 = arith.constant 0 : i32
    %dma_wait3A_157 = tpu.memref_slice %arg6[%dma_wait3A_140, %dma_wait3A_141, %dma_wait3A_155, %dma_wait3A_156] : memref<2x3x64x256xf32, #tpu.memory_space<vmem>> -> memref<1x1x64x256xf32, #tpu.memory_space<vmem>>
    %dma_wait3A_158 = tpu.memref_squeeze %dma_wait3A_157 : memref<1x1x64x256xf32, #tpu.memory_space<vmem>> -> memref<64x256xf32, #tpu.memory_space<vmem>>
    tpu.wait_dma2 semaphore(%arg10 : memref<!tpu.dma_semaphore, #tpu.memory_space<semaphore_mem>>) src(%dma_wait3A_158 : memref<64x256xf32, #tpu.memory_space<vmem>>) dst(%dma_wait3A_154 : memref<64x256xf32, #tpu.memory_space<hbm>>)
    %dma_wait3A_159 = arith.constant 1 : i32
    %dma_wait3A_160 = arith.constant 2 : i32
    %dma_wait3A_161 = arith.constant 0 : i32
    %dma_wait3A_162 = arith.constant 0 : i32
    %dma_wait3A_163 = arith.constant 0 : i32
    %dma_wait3A_164 = tpu.memref_slice %arg6[%dma_wait3A_159, %dma_wait3A_160, %dma_wait3A_162, %dma_wait3A_163] : memref<2x3x64x256xf32, #tpu.memory_space<vmem>> -> memref<1x1x64x256xf32, #tpu.memory_space<vmem>>
    %dma_wait3A_165 = tpu.memref_squeeze %dma_wait3A_164 : memref<1x1x64x256xf32, #tpu.memory_space<vmem>> -> memref<64x256xf32, #tpu.memory_space<vmem>>
    %dma_wait3A_166 = arith.constant 0 : i32
    %dma_wait3A_167 = arith.constant 0 : i32
    %dma_wait3A_168 = tpu.memref_slice %arg4[%dma_wait3A_161, %dma_wait3A_166, %dma_wait3A_167] : memref<3x65536x256xf32, #tpu.memory_space<hbm>> -> memref<1x64x256xf32, #tpu.memory_space<hbm>>
    %dma_wait3A_169 = tpu.memref_squeeze %dma_wait3A_168 : memref<1x64x256xf32, #tpu.memory_space<hbm>> -> memref<64x256xf32, #tpu.memory_space<hbm>>
    %dma_wait3A_170 = arith.constant 0 : i32
    %dma_wait3A_171 = arith.constant 0 : i32
    %dma_wait3A_172 = tpu.memref_slice %arg4[%dma_wait3A_161, %dma_wait3A_170, %dma_wait3A_171] : memref<3x65536x256xf32, #tpu.memory_space<hbm>> -> memref<1x64x256xf32, #tpu.memory_space<hbm>>
    %dma_wait3A_173 = tpu.memref_squeeze %dma_wait3A_172 : memref<1x64x256xf32, #tpu.memory_space<hbm>> -> memref<64x256xf32, #tpu.memory_space<hbm>>
    %dma_wait3A_174 = arith.constant 0 : i32
    %dma_wait3A_175 = arith.constant 0 : i32
    %dma_wait3A_176 = tpu.memref_slice %arg6[%dma_wait3A_159, %dma_wait3A_160, %dma_wait3A_174, %dma_wait3A_175] : memref<2x3x64x256xf32, #tpu.memory_space<vmem>> -> memref<1x1x64x256xf32, #tpu.memory_space<vmem>>
    %dma_wait3A_177 = tpu.memref_squeeze %dma_wait3A_176 : memref<1x1x64x256xf32, #tpu.memory_space<vmem>> -> memref<64x256xf32, #tpu.memory_space<vmem>>
    tpu.wait_dma2 semaphore(%arg10 : memref<!tpu.dma_semaphore, #tpu.memory_space<semaphore_mem>>) src(%dma_wait3A_177 : memref<64x256xf32, #tpu.memory_space<vmem>>) dst(%dma_wait3A_173 : memref<64x256xf32, #tpu.memory_space<hbm>>)
    return
  }
}

module attributes {stable_mosaic.version = 14 : i64} {
  func.func @_z_kernel(%arg0: i32, %arg1: memref<1024x256xf32, #tpu.memory_space<vmem>>, %arg2: memref<256x256xf32, #tpu.memory_space<vmem>>, %arg3: memref<1024x256xf32, #tpu.memory_space<vmem>>) attributes {dimension_semantics = [#tpu.dimension_semantics<arbitrary>], iteration_bounds = array<i64: 8>, scalar_prefetch = 0 : i64, scratch_operands = 0 : i64, tpu.core_type = #tpu.core_type<tc>, window_params = [{transform_indices = @transform_0, window_bounds = array<i64: 1024, 256>}, {pipeline_mode = #tpu.pipeline_mode<synchronous>, transform_indices = @transform_1, window_bounds = array<i64: 256, 256>}, {transform_indices = @transform_2, window_bounds = array<i64: 1024, 256>}]} {
    %get3A = arith.constant 0 : index
    %get3A_0 = arith.constant 0 : index
    %get3A_1 = vector.load %arg1[%get3A, %get3A_0] : memref<1024x256xf32, #tpu.memory_space<vmem>>, vector<1024x256xf32>
    %get3A_2 = arith.constant 0 : index
    %get3A_3 = arith.constant 0 : index
    %get3A_4 = vector.load %arg2[%get3A_2, %get3A_3] : memref<256x256xf32, #tpu.memory_space<vmem>>, vector<256x256xf32>
    %dot_general3A = arith.constant dense<0.000000e+00> : vector<1024x256xf32>
    %dot_general3A_5 = tpu.matmul %get3A_1, %get3A_4, %dot_general3A {dimension_numbers = #tpu.dot_dimension_numbers<[1], [0], [0], [1], [0, 0, 1, 1], [], []>, transpose_lhs_hint = false} : vector<1024x256xf32>, vector<256x256xf32>, vector<1024x256xf32> -> vector<1024x256xf32>
    %swap3A = arith.constant 0 : index
    %swap3A_6 = arith.constant 0 : index
    %swap3A_7 = vector.load %arg3[%swap3A, %swap3A_6] : memref<1024x256xf32, #tpu.memory_space<vmem>>, vector<1024x256xf32>
    tpu.vector_store %arg3[%swap3A, %swap3A_6], %dot_general3A_5 {strides = array<i32>} : memref<1024x256xf32, #tpu.memory_space<vmem>>, vector<1024x256xf32>,
    return
  }
  func.func @transform_0(%arg0: i32) -> (i32, i32) {
    %c0_i32 = arith.constant 0 : i32
    %c0_i32_0 = arith.constant 0 : i32
    return %arg0, %c0_i32 : i32, i32
  }
  func.func @transform_1(%arg0: i32) -> (i32, i32) {
    %c0_i32 = arith.constant 0 : i32
    %c0_i32_0 = arith.constant 0 : i32
    %c0_i32_1 = arith.constant 0 : i32
    return %c0_i32, %c0_i32_0 : i32, i32
  }
  func.func @transform_2(%arg0: i32) -> (i32, i32) {
    %c0_i32 = arith.constant 0 : i32
    %c0_i32_0 = arith.constant 0 : i32
    return %arg0, %c0_i32 : i32, i32
  }
}

module attributes {stable_mosaic.version = 14 : i64} {
  func.func @_knn_kernel(%arg0: i32, %arg1: i32, %arg2: memref<1x3x1024xf32, #tpu.memory_space<vmem>>, %arg3: memref<1x1024x3xf32, #tpu.memory_space<vmem>>, %arg4: memref<1x3x1024xi32, #tpu.memory_space<vmem>>, %arg5: memref<1x3x1024xf32, #tpu.memory_space<vmem>>) attributes {dimension_semantics = [#tpu.dimension_semantics<arbitrary>, #tpu.dimension_semantics<arbitrary>], iteration_bounds = array<i64: 8, 8>, scalar_prefetch = 0 : i64, scratch_operands = 0 : i64, tpu.core_type = #tpu.core_type<tc>, window_params = [{transform_indices = @transform_0, window_bounds = array<i64: 1, 3, 1024>}, {transform_indices = @transform_1, window_bounds = array<i64: 1, 1024, 3>}, {transform_indices = @transform_2, window_bounds = array<i64: 1, 3, 1024>}, {transform_indices = @transform_3, window_bounds = array<i64: 1, 3, 1024>}]} {
    %get3A = arith.constant 0 : index
    %get3A_0 = arith.constant 0 : index
    %get3A_1 = arith.constant 0 : index
    %get3A_2 = vector.load %arg3[%get3A, %get3A_0, %get3A_1] : memref<1x1024x3xf32, #tpu.memory_space<vmem>>, vector<1x1024x3xf32>
    %get3A_3 = vector.shape_cast %get3A_2 : vector<1x1024x3xf32> to vector<1024x3xf32>
    %get3A_4 = arith.constant 0 : index
    %get3A_5 = arith.constant 0 : index
    %get3A_6 = arith.constant 0 : index
    %get3A_7 = vector.load %arg2[%get3A_4, %get3A_5, %get3A_6] : memref<1x3x1024xf32, #tpu.memory_space<vmem>>, vector<1x3x1024xf32>
    %get3A_8 = vector.shape_cast %get3A_7 : vector<1x3x1024xf32> to vector<3x1024xf32>
    %broadcast_in_dim3A = arith.constant 0.000000e+00 : f32
    %broadcast_in_dim3A_9 = vector.broadcast %broadcast_in_dim3A : f32 to vector<1x1024xf32>
    %broadcast_in_dim3A_10 = arith.constant 0.000000e+00 : f32
    %broadcast_in_dim3A_11 = vector.broadcast %broadcast_in_dim3A_10 : f32 to vector<1024x1xf32>
    %broadcast_in_dim3A_12 = arith.constant 0.000000e+00 : f32
    %broadcast_in_dim3A_13 = vector.broadcast %broadcast_in_dim3A_12 : f32 to vector<1024x1024xf32>
    %slice3A = vector.extract_strided_slice %get3A_3 {offsets = [0, 0], sizes = [1024, 1], strides = [1, 1]} : vector<1024x3xf32> to vector<1024x1xf32>
    %slice3A_14 = vector.extract_strided_slice %get3A_8 {offsets = [0, 0], sizes = [1, 1024], strides = [1, 1]} : vector<3x1024xf32> to vector<1x1024xf32>
    %mul3A = arith.mulf %slice3A_14, %slice3A_14 : vector<1x1024xf32>
    %add3A = arith.addf %broadcast_in_dim3A_9, %mul3A : vector<1x1024xf32>
    %mul3A_15 = arith.mulf %slice3A, %slice3A : vector<1024x1xf32>
    %add3A_16 = arith.addf %broadcast_in_dim3A_11, %mul3A_15 : vector<1024x1xf32>
    %convert_element_type3A = arith.truncf %slice3A : vector<1024x1xf32> to vector<1024x1xbf16>
    %convert_element_type3A_17 = arith.extf %convert_element_type3A : vector<1024x1xbf16> to vector<1024x1xf32>
    %convert_element_type3A_18 = arith.truncf %slice3A_14 : vector<1x1024xf32> to vector<1x1024xbf16>
    %convert_element_type3A_19 = arith.extf %convert_element_type3A_18 : vector<1x1024xbf16> to vector<1x1024xf32>
    %mul3A_20 = vector.broadcast %convert_element_type3A_17 : vector<1024x1xf32> to vector<1024x1024xf32>
    %mul3A_21 = vector.broadcast %convert_element_type3A_19 : vector<1x1024xf32> to vector<1024x1024xf32>
    %mul3A_22 = arith.mulf %mul3A_20, %mul3A_21 : vector<1024x1024xf32>
    %add3A_23 = arith.addf %broadcast_in_dim3A_13, %mul3A_22 : vector<1024x1024xf32>
    %slice3A_24 = vector.extract_strided_slice %get3A_3 {offsets = [0, 1], sizes = [1024, 1], strides = [1, 1]} : vector<1024x3xf32> to vector<1024x1xf32>
    %slice3A_25 = vector.extract_strided_slice %get3A_8 {offsets = [1, 0], sizes = [1, 1024], strides = [1, 1]} : vector<3x1024xf32> to vector<1x1024xf32>
    %mul3A_26 = arith.mulf %slice3A_25, %slice3A_25 : vector<1x1024xf32>
    %add3A_27 = arith.addf %add3A, %mul3A_26 : vector<1x1024xf32>
    %mul3A_28 = arith.mulf %slice3A_24, %slice3A_24 : vector<1024x1xf32>
    %add3A_29 = arith.addf %add3A_16, %mul3A_28 : vector<1024x1xf32>
    %convert_element_type3A_30 = arith.truncf %slice3A_24 : vector<1024x1xf32> to vector<1024x1xbf16>
    %convert_element_type3A_31 = arith.extf %convert_element_type3A_30 : vector<1024x1xbf16> to vector<1024x1xf32>
    %convert_element_type3A_32 = arith.truncf %slice3A_25 : vector<1x1024xf32> to vector<1x1024xbf16>
    %convert_element_type3A_33 = arith.extf %convert_element_type3A_32 : vector<1x1024xbf16> to vector<1x1024xf32>
    %mul3A_34 = vector.broadcast %convert_element_type3A_31 : vector<1024x1xf32> to vector<1024x1024xf32>
    %mul3A_35 = vector.broadcast %convert_element_type3A_33 : vector<1x1024xf32> to vector<1024x1024xf32>
    %mul3A_36 = arith.mulf %mul3A_34, %mul3A_35 : vector<1024x1024xf32>
    %add3A_37 = arith.addf %add3A_23, %mul3A_36 : vector<1024x1024xf32>
    %slice3A_38 = vector.extract_strided_slice %get3A_3 {offsets = [0, 2], sizes = [1024, 1], strides = [1, 1]} : vector<1024x3xf32> to vector<1024x1xf32>
    %slice3A_39 = vector.extract_strided_slice %get3A_8 {offsets = [2, 0], sizes = [1, 1024], strides = [1, 1]} : vector<3x1024xf32> to vector<1x1024xf32>
    %mul3A_40 = arith.mulf %slice3A_39, %slice3A_39 : vector<1x1024xf32>
    %add3A_41 = arith.addf %add3A_27, %mul3A_40 : vector<1x1024xf32>
    %mul3A_42 = arith.mulf %slice3A_38, %slice3A_38 : vector<1024x1xf32>
    %add3A_43 = arith.addf %add3A_29, %mul3A_42 : vector<1024x1xf32>
    %convert_element_type3A_44 = arith.truncf %slice3A_38 : vector<1024x1xf32> to vector<1024x1xbf16>
    %convert_element_type3A_45 = arith.extf %convert_element_type3A_44 : vector<1024x1xbf16> to vector<1024x1xf32>
    %convert_element_type3A_46 = arith.truncf %slice3A_39 : vector<1x1024xf32> to vector<1x1024xbf16>
    %convert_element_type3A_47 = arith.extf %convert_element_type3A_46 : vector<1x1024xbf16> to vector<1x1024xf32>
    %mul3A_48 = vector.broadcast %convert_element_type3A_45 : vector<1024x1xf32> to vector<1024x1024xf32>
    %mul3A_49 = vector.broadcast %convert_element_type3A_47 : vector<1x1024xf32> to vector<1024x1024xf32>
    %mul3A_50 = arith.mulf %mul3A_48, %mul3A_49 : vector<1024x1024xf32>
    %add3A_51 = arith.addf %add3A_37, %mul3A_50 : vector<1024x1024xf32>
    %add3A_52 = vector.broadcast %add3A_41 : vector<1x1024xf32> to vector<1024x1024xf32>
    %add3A_53 = vector.broadcast %add3A_43 : vector<1024x1xf32> to vector<1024x1024xf32>
    %add3A_54 = arith.addf %add3A_52, %add3A_53 : vector<1024x1024xf32>
    %mul3A_55 = arith.constant 2.000000e+00 : f32
    %mul3A_56 = vector.broadcast %mul3A_55 : f32 to vector<1024x1024xf32>
    %mul3A_57 = arith.mulf %mul3A_56, %add3A_51 : vector<1024x1024xf32>
    %sub3A = arith.subf %add3A_54, %mul3A_57 : vector<1024x1024xf32>
    %max3A = arith.constant 0.000000e+00 : f32
    %max3A_58 = vector.broadcast %max3A : f32 to vector<1024x1024xf32>
    %max3A_59 = arith.maximumf %sub3A, %max3A_58 : vector<1024x1024xf32>
    %iota3A = tpu.iota {dimensions = array<i32: 0>} : vector<1024x1024xi32>
    %reduce_min3A = arith.constant dense<0x7F800000> : vector<1024xf32>
    %reduce_min3A_60 = vector.multi_reduction <minimumf>, %max3A_59, %reduce_min3A [0] : vector<1024x1024xf32> to vector<1024xf32>
    %broadcast_in_dim3A_61 = vector.shape_cast %reduce_min3A_60 : vector<1024xf32> to vector<1x1024xf32>
    %eq3A = vector.broadcast %broadcast_in_dim3A_61 : vector<1x1024xf32> to vector<1024x1024xf32>
    %eq3A_62 = arith.cmpf oeq, %max3A_59, %eq3A : vector<1024x1024xf32>
    %jit3A = arith.constant 1024 : i32
    %broadcast_in_dim3A_63 = vector.broadcast %jit3A : i32 to vector<1024x1024xi32>
    %select_n3A = arith.select %eq3A_62, %iota3A, %broadcast_in_dim3A_63 : vector<1024x1024xi1>, vector<1024x1024xi32>
    %reduce_min3A_64 = arith.constant dense<2147483647> : vector<1024xi32>
    %reduce_min3A_65 = vector.multi_reduction <minsi>, %select_n3A, %reduce_min3A_64 [0] : vector<1024x1024xi32> to vector<1024xi32>
    %broadcast_in_dim3A_66 = vector.shape_cast %reduce_min3A_65 : vector<1024xi32> to vector<1x1024xi32>
    %max3A_67 = arith.constant 9.99999996E-13 : f32
    %max3A_68 = vector.broadcast %max3A_67 : f32 to vector<1x1024xf32>
    %max3A_69 = arith.maximumf %broadcast_in_dim3A_61, %max3A_68 : vector<1x1024xf32>
    %sqrt3A = math.sqrt %max3A_69 : vector<1x1024xf32>
    %add3A_70 = arith.constant 9.99999993E-9 : f32
    %add3A_71 = vector.broadcast %add3A_70 : f32 to vector<1x1024xf32>
    %add3A_72 = arith.addf %sqrt3A, %add3A_71 : vector<1x1024xf32>
    %div3A = arith.constant 1.000000e+00 : f32
    %div3A_73 = vector.broadcast %div3A : f32 to vector<1x1024xf32>
    %div3A_74 = arith.divf %div3A_73, %add3A_72 : vector<1x1024xf32>
    %eq3A_75 = vector.broadcast %broadcast_in_dim3A_66 : vector<1x1024xi32> to vector<1024x1024xi32>
    %eq3A_76 = arith.cmpi eq, %iota3A, %eq3A_75 : vector<1024x1024xi32>
    %jit3A_77 = arith.constant 3.000000e+38 : f32
    %broadcast_in_dim3A_78 = vector.broadcast %jit3A_77 : f32 to vector<1024x1024xf32>
    %select_n3A_79 = arith.select %eq3A_76, %broadcast_in_dim3A_78, %max3A_59 : vector<1024x1024xi1>, vector<1024x1024xf32>
    %reduce_min3A_80 = arith.constant dense<0x7F800000> : vector<1024xf32>
    %reduce_min3A_81 = vector.multi_reduction <minimumf>, %select_n3A_79, %reduce_min3A_80 [0] : vector<1024x1024xf32> to vector<1024xf32>
    %broadcast_in_dim3A_82 = vector.shape_cast %reduce_min3A_81 : vector<1024xf32> to vector<1x1024xf32>
    %eq3A_83 = vector.broadcast %broadcast_in_dim3A_82 : vector<1x1024xf32> to vector<1024x1024xf32>
    %eq3A_84 = arith.cmpf oeq, %select_n3A_79, %eq3A_83 : vector<1024x1024xf32>
    %jit3A_85 = arith.constant 1024 : i32
    %broadcast_in_dim3A_86 = vector.broadcast %jit3A_85 : i32 to vector<1024x1024xi32>
    %select_n3A_87 = arith.select %eq3A_84, %iota3A, %broadcast_in_dim3A_86 : vector<1024x1024xi1>, vector<1024x1024xi32>
    %reduce_min3A_88 = arith.constant dense<2147483647> : vector<1024xi32>
    %reduce_min3A_89 = vector.multi_reduction <minsi>, %select_n3A_87, %reduce_min3A_88 [0] : vector<1024x1024xi32> to vector<1024xi32>
    %broadcast_in_dim3A_90 = vector.shape_cast %reduce_min3A_89 : vector<1024xi32> to vector<1x1024xi32>
    %max3A_91 = arith.constant 9.99999996E-13 : f32
    %max3A_92 = vector.broadcast %max3A_91 : f32 to vector<1x1024xf32>
    %max3A_93 = arith.maximumf %broadcast_in_dim3A_82, %max3A_92 : vector<1x1024xf32>
    %sqrt3A_94 = math.sqrt %max3A_93 : vector<1x1024xf32>
    %add3A_95 = arith.constant 9.99999993E-9 : f32
    %add3A_96 = vector.broadcast %add3A_95 : f32 to vector<1x1024xf32>
    %add3A_97 = arith.addf %sqrt3A_94, %add3A_96 : vector<1x1024xf32>
    %div3A_98 = arith.constant 1.000000e+00 : f32
    %div3A_99 = vector.broadcast %div3A_98 : f32 to vector<1x1024xf32>
    %div3A_100 = arith.divf %div3A_99, %add3A_97 : vector<1x1024xf32>
    %eq3A_101 = vector.broadcast %broadcast_in_dim3A_90 : vector<1x1024xi32> to vector<1024x1024xi32>
    %eq3A_102 = arith.cmpi eq, %iota3A, %eq3A_101 : vector<1024x1024xi32>
    %jit3A_103 = arith.constant 3.000000e+38 : f32
    %broadcast_in_dim3A_104 = vector.broadcast %jit3A_103 : f32 to vector<1024x1024xf32>
    %select_n3A_105 = arith.select %eq3A_102, %broadcast_in_dim3A_104, %select_n3A_79 : vector<1024x1024xi1>, vector<1024x1024xf32>
    %reduce_min3A_106 = arith.constant dense<0x7F800000> : vector<1024xf32>
    %reduce_min3A_107 = vector.multi_reduction <minimumf>, %select_n3A_105, %reduce_min3A_106 [0] : vector<1024x1024xf32> to vector<1024xf32>
    %broadcast_in_dim3A_108 = vector.shape_cast %reduce_min3A_107 : vector<1024xf32> to vector<1x1024xf32>
    %eq3A_109 = vector.broadcast %broadcast_in_dim3A_108 : vector<1x1024xf32> to vector<1024x1024xf32>
    %eq3A_110 = arith.cmpf oeq, %select_n3A_105, %eq3A_109 : vector<1024x1024xf32>
    %jit3A_111 = arith.constant 1024 : i32
    %broadcast_in_dim3A_112 = vector.broadcast %jit3A_111 : i32 to vector<1024x1024xi32>
    %select_n3A_113 = arith.select %eq3A_110, %iota3A, %broadcast_in_dim3A_112 : vector<1024x1024xi1>, vector<1024x1024xi32>
    %reduce_min3A_114 = arith.constant dense<2147483647> : vector<1024xi32>
    %reduce_min3A_115 = vector.multi_reduction <minsi>, %select_n3A_113, %reduce_min3A_114 [0] : vector<1024x1024xi32> to vector<1024xi32>
    %broadcast_in_dim3A_116 = vector.shape_cast %reduce_min3A_115 : vector<1024xi32> to vector<1x1024xi32>
    %max3A_117 = arith.constant 9.99999996E-13 : f32
    %max3A_118 = vector.broadcast %max3A_117 : f32 to vector<1x1024xf32>
    %max3A_119 = arith.maximumf %broadcast_in_dim3A_108, %max3A_118 : vector<1x1024xf32>
    %sqrt3A_120 = math.sqrt %max3A_119 : vector<1x1024xf32>
    %add3A_121 = arith.constant 9.99999993E-9 : f32
    %add3A_122 = vector.broadcast %add3A_121 : f32 to vector<1x1024xf32>
    %add3A_123 = arith.addf %sqrt3A_120, %add3A_122 : vector<1x1024xf32>
    %div3A_124 = arith.constant 1.000000e+00 : f32
    %div3A_125 = vector.broadcast %div3A_124 : f32 to vector<1x1024xf32>
    %div3A_126 = arith.divf %div3A_125, %add3A_123 : vector<1x1024xf32>
    %add3A_127 = arith.addf %div3A_74, %div3A_100 : vector<1x1024xf32>
    %add3A_128 = arith.addf %add3A_127, %div3A_126 : vector<1x1024xf32>
    %mul3A_129 = arith.constant 1024 : i32
    %mul3A_130 = arith.muli %arg0, %mul3A_129 : i32
    %add3A_131 = vector.broadcast %mul3A_130 : i32 to vector<1x1024xi32>
    %add3A_132 = arith.addi %broadcast_in_dim3A_66, %add3A_131 : vector<1x1024xi32>
    %swap3A = arith.constant 0 : index
    %swap3A_133 = arith.constant 0 : index
    %swap3A_134 = arith.constant 0 : index
    %swap3A_135 = vector.load %arg4[%swap3A, %swap3A_133, %swap3A_134] : memref<1x3x1024xi32, #tpu.memory_space<vmem>>, vector<1x1x1024xi32>
    %swap3A_136 = vector.shape_cast %swap3A_135 : vector<1x1x1024xi32> to vector<1x1024xi32>
    %swap3A_137 = vector.shape_cast %add3A_132 : vector<1x1024xi32> to vector<1x1x1024xi32>
    tpu.vector_store %arg4[%swap3A, %swap3A_133, %swap3A_134], %swap3A_137 {strides = array<i32>} : memref<1x3x1024xi32, #tpu.memory_space<vmem>>, vector<1x1x1024xi32>,
    %div3A_138 = arith.divf %div3A_74, %add3A_128 : vector<1x1024xf32>
    %swap3A_139 = arith.constant 0 : index
    %swap3A_140 = arith.constant 0 : index
    %swap3A_141 = arith.constant 0 : index
    %swap3A_142 = vector.load %arg5[%swap3A_139, %swap3A_140, %swap3A_141] : memref<1x3x1024xf32, #tpu.memory_space<vmem>>, vector<1x1x1024xf32>
    %swap3A_143 = vector.shape_cast %swap3A_142 : vector<1x1x1024xf32> to vector<1x1024xf32>
    %swap3A_144 = vector.shape_cast %div3A_138 : vector<1x1024xf32> to vector<1x1x1024xf32>
    tpu.vector_store %arg5[%swap3A_139, %swap3A_140, %swap3A_141], %swap3A_144 {strides = array<i32>} : memref<1x3x1024xf32, #tpu.memory_space<vmem>>, vector<1x1x1024xf32>,
    %mul3A_145 = arith.constant 1024 : i32
    %mul3A_146 = arith.muli %arg0, %mul3A_145 : i32
    %add3A_147 = vector.broadcast %mul3A_146 : i32 to vector<1x1024xi32>
    %add3A_148 = arith.addi %broadcast_in_dim3A_90, %add3A_147 : vector<1x1024xi32>
    %swap3A_149 = arith.constant 0 : index
    %swap3A_150 = arith.constant 1 : index
    %swap3A_151 = arith.constant 0 : index
    %swap3A_152 = vector.load %arg4[%swap3A_149, %swap3A_150, %swap3A_151] : memref<1x3x1024xi32, #tpu.memory_space<vmem>>, vector<1x1x1024xi32>
    %swap3A_153 = vector.shape_cast %swap3A_152 : vector<1x1x1024xi32> to vector<1x1024xi32>
    %swap3A_154 = vector.shape_cast %add3A_148 : vector<1x1024xi32> to vector<1x1x1024xi32>
    tpu.vector_store %arg4[%swap3A_149, %swap3A_150, %swap3A_151], %swap3A_154 {strides = array<i32>} : memref<1x3x1024xi32, #tpu.memory_space<vmem>>, vector<1x1x1024xi32>,
    %div3A_155 = arith.divf %div3A_100, %add3A_128 : vector<1x1024xf32>
    %swap3A_156 = arith.constant 0 : index
    %swap3A_157 = arith.constant 1 : index
    %swap3A_158 = arith.constant 0 : index
    %swap3A_159 = vector.load %arg5[%swap3A_156, %swap3A_157, %swap3A_158] : memref<1x3x1024xf32, #tpu.memory_space<vmem>>, vector<1x1x1024xf32>
    %swap3A_160 = vector.shape_cast %swap3A_159 : vector<1x1x1024xf32> to vector<1x1024xf32>
    %swap3A_161 = vector.shape_cast %div3A_155 : vector<1x1024xf32> to vector<1x1x1024xf32>
    tpu.vector_store %arg5[%swap3A_156, %swap3A_157, %swap3A_158], %swap3A_161 {strides = array<i32>} : memref<1x3x1024xf32, #tpu.memory_space<vmem>>, vector<1x1x1024xf32>,
    %mul3A_162 = arith.constant 1024 : i32
    %mul3A_163 = arith.muli %arg0, %mul3A_162 : i32
    %add3A_164 = vector.broadcast %mul3A_163 : i32 to vector<1x1024xi32>
    %add3A_165 = arith.addi %broadcast_in_dim3A_116, %add3A_164 : vector<1x1024xi32>
    %swap3A_166 = arith.constant 0 : index
    %swap3A_167 = arith.constant 2 : index
    %swap3A_168 = arith.constant 0 : index
    %swap3A_169 = vector.load %arg4[%swap3A_166, %swap3A_167, %swap3A_168] : memref<1x3x1024xi32, #tpu.memory_space<vmem>>, vector<1x1x1024xi32>
    %swap3A_170 = vector.shape_cast %swap3A_169 : vector<1x1x1024xi32> to vector<1x1024xi32>
    %swap3A_171 = vector.shape_cast %add3A_165 : vector<1x1024xi32> to vector<1x1x1024xi32>
    tpu.vector_store %arg4[%swap3A_166, %swap3A_167, %swap3A_168], %swap3A_171 {strides = array<i32>} : memref<1x3x1024xi32, #tpu.memory_space<vmem>>, vector<1x1x1024xi32>,
    %div3A_172 = arith.divf %div3A_126, %add3A_128 : vector<1x1024xf32>
    %swap3A_173 = arith.constant 0 : index
    %swap3A_174 = arith.constant 2 : index
    %swap3A_175 = arith.constant 0 : index
    %swap3A_176 = vector.load %arg5[%swap3A_173, %swap3A_174, %swap3A_175] : memref<1x3x1024xf32, #tpu.memory_space<vmem>>, vector<1x1x1024xf32>
    %swap3A_177 = vector.shape_cast %swap3A_176 : vector<1x1x1024xf32> to vector<1x1024xf32>
    %swap3A_178 = vector.shape_cast %div3A_172 : vector<1x1024xf32> to vector<1x1x1024xf32>
    tpu.vector_store %arg5[%swap3A_173, %swap3A_174, %swap3A_175], %swap3A_178 {strides = array<i32>} : memref<1x3x1024xf32, #tpu.memory_space<vmem>>, vector<1x1x1024xf32>,
    return
  }
  func.func @transform_0(%arg0: i32, %arg1: i32) -> (i32, i32, i32) {
    %c0_i32 = arith.constant 0 : i32
    %c0_i32_0 = arith.constant 0 : i32
    return %arg0, %c0_i32, %arg1 : i32, i32, i32
  }
  func.func @transform_1(%arg0: i32, %arg1: i32) -> (i32, i32, i32) {
    %c0_i32 = arith.constant 0 : i32
    %c0_i32_0 = arith.constant 0 : i32
    %c0_i32_1 = arith.constant 0 : i32
    return %arg0, %c0_i32, %c0_i32_0 : i32, i32, i32
  }
  func.func @transform_2(%arg0: i32, %arg1: i32) -> (i32, i32, i32) {
    %c0_i32 = arith.constant 0 : i32
    %c0_i32_0 = arith.constant 0 : i32
    return %arg0, %c0_i32, %arg1 : i32, i32, i32
  }
  func.func @transform_3(%arg0: i32, %arg1: i32) -> (i32, i32, i32) {
    %c0_i32 = arith.constant 0 : i32
    %c0_i32_0 = arith.constant 0 : i32
    return %arg0, %c0_i32, %arg1 : i32, i32, i32
  }
}

module attributes {stable_mosaic.version = 14 : i64} {
  func.func @_mlp_kernel(%arg0: i32, %arg1: i32, %arg2: memref<3x512x256xf32, #tpu.memory_space<vmem>>, %arg3: memref<1x512x3xf32, #tpu.memory_space<vmem>>, %arg4: memref<1x512x256xf32, #tpu.memory_space<vmem>>, %arg5: memref<256x256xf32, #tpu.memory_space<vmem>>, %arg6: memref<1x256xf32, #tpu.memory_space<vmem>>, %arg7: memref<1x512x256xf32, #tpu.memory_space<vmem>>, %arg8: memref<1x1x256xf32, #tpu.memory_space<vmem>>, %arg9: memref<1x1x256xf32, #tpu.memory_space<vmem>>) attributes {dimension_semantics = [#tpu.dimension_semantics<arbitrary>, #tpu.dimension_semantics<arbitrary>], iteration_bounds = array<i64: 8, 16>, scalar_prefetch = 0 : i64, scratch_operands = 0 : i64, tpu.core_type = #tpu.core_type<tc>, window_params = [{transform_indices = @transform_0, window_bounds = array<i64: 3, 512, 256>}, {transform_indices = @transform_1, window_bounds = array<i64: 1, 512, 3>}, {transform_indices = @transform_2, window_bounds = array<i64: 1, 512, 256>}, {pipeline_mode = #tpu.pipeline_mode<synchronous>, transform_indices = @transform_3, window_bounds = array<i64: 256, 256>}, {pipeline_mode = #tpu.pipeline_mode<synchronous>, transform_indices = @transform_4, window_bounds = array<i64: 1, 256>}, {transform_indices = @transform_5, window_bounds = array<i64: 1, 512, 256>}, {transform_indices = @transform_6, window_bounds = array<i64: 1, 1, 256>}, {transform_indices = @transform_7, window_bounds = array<i64: 1, 1, 256>}]} {
    %get3A = arith.constant 0 : index
    %get3A_0 = arith.constant 0 : index
    %get3A_1 = arith.constant 0 : index
    %get3A_2 = vector.load %arg4[%get3A, %get3A_0, %get3A_1] : memref<1x512x256xf32, #tpu.memory_space<vmem>>, vector<1x512x256xf32>
    %get3A_3 = vector.shape_cast %get3A_2 : vector<1x512x256xf32> to vector<512x256xf32>
    %get3A_4 = arith.constant 0 : index
    %get3A_5 = arith.constant 0 : index
    %get3A_6 = vector.load %arg5[%get3A_4, %get3A_5] : memref<256x256xf32, #tpu.memory_space<vmem>>, vector<256x256xf32>
    %dot_general3A = arith.constant dense<0.000000e+00> : vector<512x256xf32>
    %dot_general3A_7 = tpu.matmul %get3A_3, %get3A_6, %dot_general3A {dimension_numbers = #tpu.dot_dimension_numbers<[1], [0], [0], [1], [0, 0, 1, 1], [], []>, transpose_lhs_hint = false} : vector<512x256xf32>, vector<256x256xf32>, vector<512x256xf32> -> vector<512x256xf32>
    %get3A_8 = arith.constant 0 : index
    %get3A_9 = arith.constant 0 : index
    %get3A_10 = arith.constant 0 : index
    %get3A_11 = vector.load %arg3[%get3A_8, %get3A_9, %get3A_10] : memref<1x512x3xf32, #tpu.memory_space<vmem>>, vector<1x512x3xf32>
    %get3A_12 = vector.shape_cast %get3A_11 : vector<1x512x3xf32> to vector<512x3xf32>
    %get3A_13 = arith.constant 0 : index
    %get3A_14 = arith.constant 0 : index
    %get3A_15 = arith.constant 0 : index
    %get3A_16 = vector.load %arg2[%get3A_13, %get3A_14, %get3A_15] : memref<3x512x256xf32, #tpu.memory_space<vmem>>, vector<1x512x256xf32>
    %get3A_17 = vector.shape_cast %get3A_16 : vector<1x512x256xf32> to vector<512x256xf32>
    %slice3A = vector.extract_strided_slice %get3A_12 {offsets = [0, 0], sizes = [512, 1], strides = [1, 1]} : vector<512x3xf32> to vector<512x1xf32>
    %mul3A = vector.broadcast %slice3A : vector<512x1xf32> to vector<512x256xf32>
    %mul3A_18 = arith.mulf %get3A_17, %mul3A : vector<512x256xf32>
    %add3A = arith.addf %dot_general3A_7, %mul3A_18 : vector<512x256xf32>
    %get3A_19 = arith.constant 1 : index
    %get3A_20 = arith.constant 0 : index
    %get3A_21 = arith.constant 0 : index
    %get3A_22 = vector.load %arg2[%get3A_19, %get3A_20, %get3A_21] : memref<3x512x256xf32, #tpu.memory_space<vmem>>, vector<1x512x256xf32>
    %get3A_23 = vector.shape_cast %get3A_22 : vector<1x512x256xf32> to vector<512x256xf32>
    %slice3A_24 = vector.extract_strided_slice %get3A_12 {offsets = [0, 1], sizes = [512, 1], strides = [1, 1]} : vector<512x3xf32> to vector<512x1xf32>
    %mul3A_25 = vector.broadcast %slice3A_24 : vector<512x1xf32> to vector<512x256xf32>
    %mul3A_26 = arith.mulf %get3A_23, %mul3A_25 : vector<512x256xf32>
    %add3A_27 = arith.addf %add3A, %mul3A_26 : vector<512x256xf32>
    %get3A_28 = arith.constant 2 : index
    %get3A_29 = arith.constant 0 : index
    %get3A_30 = arith.constant 0 : index
    %get3A_31 = vector.load %arg2[%get3A_28, %get3A_29, %get3A_30] : memref<3x512x256xf32, #tpu.memory_space<vmem>>, vector<1x512x256xf32>
    %get3A_32 = vector.shape_cast %get3A_31 : vector<1x512x256xf32> to vector<512x256xf32>
    %slice3A_33 = vector.extract_strided_slice %get3A_12 {offsets = [0, 2], sizes = [512, 1], strides = [1, 1]} : vector<512x3xf32> to vector<512x1xf32>
    %mul3A_34 = vector.broadcast %slice3A_33 : vector<512x1xf32> to vector<512x256xf32>
    %mul3A_35 = arith.mulf %get3A_32, %mul3A_34 : vector<512x256xf32>
    %add3A_36 = arith.addf %add3A_27, %mul3A_35 : vector<512x256xf32>
    %get3A_37 = arith.constant 0 : index
    %get3A_38 = arith.constant 0 : index
    %get3A_39 = vector.load %arg6[%get3A_37, %get3A_38] : memref<1x256xf32, #tpu.memory_space<vmem>>, vector<1x256xf32>
    %add3A_40 = vector.broadcast %get3A_39 : vector<1x256xf32> to vector<512x256xf32>
    %add3A_41 = arith.addf %add3A_36, %add3A_40 : vector<512x256xf32>
    %swap3A = arith.constant 0 : index
    %swap3A_42 = arith.constant 0 : index
    %swap3A_43 = arith.constant 0 : index
    %swap3A_44 = vector.load %arg7[%swap3A, %swap3A_42, %swap3A_43] : memref<1x512x256xf32, #tpu.memory_space<vmem>>, vector<1x512x256xf32>
    %swap3A_45 = vector.shape_cast %swap3A_44 : vector<1x512x256xf32> to vector<512x256xf32>
    %swap3A_46 = vector.shape_cast %add3A_41 : vector<512x256xf32> to vector<1x512x256xf32>
    tpu.vector_store %arg7[%swap3A, %swap3A_42, %swap3A_43], %swap3A_46 {strides = array<i32>} : memref<1x512x256xf32, #tpu.memory_space<vmem>>, vector<1x512x256xf32>,
    %reduce_sum3A = arith.constant dense<0.000000e+00> : vector<256xf32>
    %reduce_sum3A_47 = vector.multi_reduction <add>, %add3A_41, %reduce_sum3A [0] : vector<512x256xf32> to vector<256xf32>
    %broadcast_in_dim3A = vector.shape_cast %reduce_sum3A_47 : vector<256xf32> to vector<1x256xf32>
    %swap3A_48 = arith.constant 0 : index
    %swap3A_49 = arith.constant 0 : index
    %swap3A_50 = arith.constant 0 : index
    %swap3A_51 = vector.load %arg8[%swap3A_48, %swap3A_49, %swap3A_50] : memref<1x1x256xf32, #tpu.memory_space<vmem>>, vector<1x1x256xf32>
    %swap3A_52 = vector.shape_cast %swap3A_51 : vector<1x1x256xf32> to vector<1x256xf32>
    %swap3A_53 = vector.shape_cast %broadcast_in_dim3A : vector<1x256xf32> to vector<1x1x256xf32>
    tpu.vector_store %arg8[%swap3A_48, %swap3A_49, %swap3A_50], %swap3A_53 {strides = array<i32>} : memref<1x1x256xf32, #tpu.memory_space<vmem>>, vector<1x1x256xf32>,
    %mul3A_54 = arith.mulf %add3A_41, %add3A_41 : vector<512x256xf32>
    %reduce_sum3A_55 = arith.constant dense<0.000000e+00> : vector<256xf32>
    %reduce_sum3A_56 = vector.multi_reduction <add>, %mul3A_54, %reduce_sum3A_55 [0] : vector<512x256xf32> to vector<256xf32>
    %broadcast_in_dim3A_57 = vector.shape_cast %reduce_sum3A_56 : vector<256xf32> to vector<1x256xf32>
    %swap3A_58 = arith.constant 0 : index
    %swap3A_59 = arith.constant 0 : index
    %swap3A_60 = arith.constant 0 : index
    %swap3A_61 = vector.load %arg9[%swap3A_58, %swap3A_59, %swap3A_60] : memref<1x1x256xf32, #tpu.memory_space<vmem>>, vector<1x1x256xf32>
    %swap3A_62 = vector.shape_cast %swap3A_61 : vector<1x1x256xf32> to vector<1x256xf32>
    %swap3A_63 = vector.shape_cast %broadcast_in_dim3A_57 : vector<1x256xf32> to vector<1x1x256xf32>
    tpu.vector_store %arg9[%swap3A_58, %swap3A_59, %swap3A_60], %swap3A_63 {strides = array<i32>} : memref<1x1x256xf32, #tpu.memory_space<vmem>>, vector<1x1x256xf32>,
    return
  }
  func.func @transform_0(%arg0: i32, %arg1: i32) -> (i32, i32, i32) {
    %mul3A = arith.constant 16 : i32
    %mul3A_0 = arith.muli %arg0, %mul3A : i32
    %add3A = arith.addi %mul3A_0, %arg1 : i32
    %c0_i32 = arith.constant 0 : i32
    %c0_i32_1 = arith.constant 0 : i32
    %c0_i32_2 = arith.constant 0 : i32
    return %c0_i32, %add3A, %c0_i32_1 : i32, i32, i32
  }
  func.func @transform_1(%arg0: i32, %arg1: i32) -> (i32, i32, i32) {
    %c0_i32 = arith.constant 0 : i32
    %c0_i32_0 = arith.constant 0 : i32
    return %arg0, %arg1, %c0_i32 : i32, i32, i32
  }
  func.func @transform_2(%arg0: i32, %arg1: i32) -> (i32, i32, i32) {
    %c0_i32 = arith.constant 0 : i32
    %c0_i32_0 = arith.constant 0 : i32
    return %arg0, %arg1, %c0_i32 : i32, i32, i32
  }
  func.func @transform_3(%arg0: i32, %arg1: i32) -> (i32, i32) {
    %c0_i32 = arith.constant 0 : i32
    %c0_i32_0 = arith.constant 0 : i32
    %c0_i32_1 = arith.constant 0 : i32
    return %c0_i32, %c0_i32_0 : i32, i32
  }
  func.func @transform_4(%arg0: i32, %arg1: i32) -> (i32, i32) {
    %c0_i32 = arith.constant 0 : i32
    %c0_i32_0 = arith.constant 0 : i32
    %c0_i32_1 = arith.constant 0 : i32
    return %c0_i32, %c0_i32_0 : i32, i32
  }
  func.func @transform_5(%arg0: i32, %arg1: i32) -> (i32, i32, i32) {
    %c0_i32 = arith.constant 0 : i32
    %c0_i32_0 = arith.constant 0 : i32
    return %arg0, %arg1, %c0_i32 : i32, i32, i32
  }
  func.func @transform_6(%arg0: i32, %arg1: i32) -> (i32, i32, i32) {
    %mul3A = arith.constant 16 : i32
    %mul3A_0 = arith.muli %arg0, %mul3A : i32
    %add3A = arith.addi %mul3A_0, %arg1 : i32
    %c0_i32 = arith.constant 0 : i32
    %c0_i32_1 = arith.constant 0 : i32
    %c0_i32_2 = arith.constant 0 : i32
    return %add3A, %c0_i32, %c0_i32_1 : i32, i32, i32
  }
  func.func @transform_7(%arg0: i32, %arg1: i32) -> (i32, i32, i32) {
    %mul3A = arith.constant 16 : i32
    %mul3A_0 = arith.muli %arg0, %mul3A : i32
    %add3A = arith.addi %mul3A_0, %arg1 : i32
    %c0_i32 = arith.constant 0 : i32
    %c0_i32_1 = arith.constant 0 : i32
    %c0_i32_2 = arith.constant 0 : i32
    return %add3A, %c0_i32, %c0_i32_1 : i32, i32, i32
  }
}

module attributes {stable_mosaic.version = 14 : i64} {
  func.func @_bn_kernel(%arg0: i32, %arg1: i32, %arg2: memref<1x512x256xf32, #tpu.memory_space<vmem>>, %arg3: memref<2x256xf32, #tpu.memory_space<vmem>>, %arg4: memref<1x256x512xf32, #tpu.memory_space<vmem>>) attributes {dimension_semantics = [#tpu.dimension_semantics<arbitrary>, #tpu.dimension_semantics<arbitrary>], iteration_bounds = array<i64: 8, 16>, scalar_prefetch = 0 : i64, scratch_operands = 0 : i64, tpu.core_type = #tpu.core_type<tc>, window_params = [{transform_indices = @transform_0, window_bounds = array<i64: 1, 512, 256>}, {pipeline_mode = #tpu.pipeline_mode<synchronous>, transform_indices = @transform_1, window_bounds = array<i64: 2, 256>}, {transform_indices = @transform_2, window_bounds = array<i64: 1, 256, 512>}]} {
    %get3A = arith.constant 0 : index
    %get3A_0 = arith.constant 0 : index
    %get3A_1 = arith.constant 0 : index
    %get3A_2 = vector.load %arg2[%get3A, %get3A_0, %get3A_1] : memref<1x512x256xf32, #tpu.memory_space<vmem>>, vector<1x512x256xf32>
    %get3A_3 = vector.shape_cast %get3A_2 : vector<1x512x256xf32> to vector<512x256xf32>
    %get3A_4 = arith.constant 0 : index
    %get3A_5 = arith.constant 0 : index
    %get3A_6 = vector.load %arg3[%get3A_4, %get3A_5] : memref<2x256xf32, #tpu.memory_space<vmem>>, vector<1x256xf32>
    %mul3A = vector.broadcast %get3A_6 : vector<1x256xf32> to vector<512x256xf32>
    %mul3A_7 = arith.mulf %get3A_3, %mul3A : vector<512x256xf32>
    %get3A_8 = arith.constant 1 : index
    %get3A_9 = arith.constant 0 : index
    %get3A_10 = vector.load %arg3[%get3A_8, %get3A_9] : memref<2x256xf32, #tpu.memory_space<vmem>>, vector<1x256xf32>
    %add3A = vector.broadcast %get3A_10 : vector<1x256xf32> to vector<512x256xf32>
    %add3A_11 = arith.addf %mul3A_7, %add3A : vector<512x256xf32>
    %max3A = arith.constant 0.000000e+00 : f32
    %max3A_12 = vector.broadcast %max3A : f32 to vector<512x256xf32>
    %max3A_13 = arith.maximumf %add3A_11, %max3A_12 : vector<512x256xf32>
    %transpose3A = tpu.transpose %max3A_13, [1, 0] : vector<512x256xf32> -> vector<256x512xf32>
    %swap3A = arith.constant 0 : index
    %swap3A_14 = arith.constant 0 : index
    %swap3A_15 = arith.constant 0 : index
    %swap3A_16 = vector.load %arg4[%swap3A, %swap3A_14, %swap3A_15] : memref<1x256x512xf32, #tpu.memory_space<vmem>>, vector<1x256x512xf32>
    %swap3A_17 = vector.shape_cast %swap3A_16 : vector<1x256x512xf32> to vector<256x512xf32>
    %swap3A_18 = vector.shape_cast %transpose3A : vector<256x512xf32> to vector<1x256x512xf32>
    tpu.vector_store %arg4[%swap3A, %swap3A_14, %swap3A_15], %swap3A_18 {strides = array<i32>} : memref<1x256x512xf32, #tpu.memory_space<vmem>>, vector<1x256x512xf32>,
    return
  }
  func.func @transform_0(%arg0: i32, %arg1: i32) -> (i32, i32, i32) {
    %c0_i32 = arith.constant 0 : i32
    %c0_i32_0 = arith.constant 0 : i32
    return %arg0, %arg1, %c0_i32 : i32, i32, i32
  }
  func.func @transform_1(%arg0: i32, %arg1: i32) -> (i32, i32) {
    %c0_i32 = arith.constant 0 : i32
    %c0_i32_0 = arith.constant 0 : i32
    %c0_i32_1 = arith.constant 0 : i32
    return %c0_i32, %c0_i32_0 : i32, i32
  }
  func.func @transform_2(%arg0: i32, %arg1: i32) -> (i32, i32, i32) {
    %c0_i32 = arith.constant 0 : i32
    %c0_i32_0 = arith.constant 0 : i32
    return %arg0, %c0_i32, %arg1 : i32, i32, i32
  }
}

</mosaic_0001>

<sc_bundles>
// kernel: kernel.7.cloned.1.call-start
scs
__scs_entry_jumppad:
0x0: {  	(pc) =	sbr.rel $0x88, $3  }
0x1: {  	(tag) =	ssettag $0x0;
	lr =	simm.s32 $0x1  }
0x2: {  	[smem:$0x3F99] =	sst lr;
	_ =	strace $0xD0000000  }
0x3: {  	_ = 	snop  }
0x4: {  	_ = 	snop  }
0x5: {  	_ = 	snop  }
0x6: {  	_ = 	snop  }
0x7: {  	_ = 	snop  }
__scs_overlays_trampoline_lowered:
0x8: {  	[smem:$0x3FA8] =	sst s0  }
0x9: {  	[smem:$0x3FA9] =	sst s1  }
0xa: {  	[smem:$0x3FAA] =	sst s2  }
0xb: {  	[smem:$0x3FAB] =	sst s3  }
0xc: {  	[smem:$0x3FAC] =	sst s4  }
0xd: {  	[smem:$0x3FAD] =	sst s5  }
0xe: {  	[smem:$0x3FAE] =	sst s6  }
0xf: {  	[smem:$0x3FAF] =	sst s7  }
0x10: {  	[smem:$0x3FB0] =	sst s8  }
0x11: {  	[smem:$0x3FB1] =	sst s9;
	s0 =	simm.s32 @!p0 $0x0  }
0x12: {  	s1 =	sld [smem:$0x3F97];
	s0 =	simm.s32 @p0 $0x1  }
0x13: {  	[smem:$0x3FB2] =	sst s0;
	s0 =	simm.s32 @!p1 $0x0  }
0x14: {  	s2 =	sld [smem:$0x3F96];
	s0 =	simm.s32 @p1 $0x1  }
0x15: {  	[smem:$0x3FB3] =	sst s0;
	s0 =	simm.s32 @!p2 $0x0  }
0x16: {  	s3 =	sld [smem:$0x3FDB];
	s0 =	simm.s32 @p2 $0x1  }
0x17: {  	s4 =	simm.s32 $0x1BF5;
	[smem:$0x3FB5] =	sst s0  }
0x18: {  	s0 =	sld [smem:$0x3F98];
	_ =	swait.ge [sflag:s4], $0x0  }
0x19: {  	s7 =	sld [smem:$0x3F99]  }
0x1a: {  	s8 =	sadd.s32 $0xFFFFE003, lr  }
0x1b: {  	s9 =	sadd.s32 $0xFFFFFEF7, lr;
	s5 =	simm.s32 $0xFFFFFFFF;
	p2 =	slt.u32 s8, $0xFFFFF086  }
0x1c: {  	p1 =	slt.u32 s9, $0xF7A;
	s5 =	simm.s32 @!p2 $0x0  }
0x1d: {  	s5 =	simm.s32 @p1 $0x1;
	p0 =	seq.s32 s7, s2  }
0x1e: {  	s7 =	smul.u32 @!p0 $0xF7A, s2;
	p2 =	seq.s32 @!p0 s5, $0x0  }
0x1f: {  	s9 =	smul.u32 $0xF7A, s1;
	s8 =	simm.s32 @!p0 $0x1BF5;
	p2 =	por !p2, p0  }
0x20: {  	[sflag:s8] =	ssyncset.s32 @!p0 $0xFFFFF086;
	s6 =	sadd.s32 @!p0 s3, s7;
	s7 =	simm.s32 @!p0 $0x108  }
0x21: {  	s3 =	sadd.s32 s3, s9;
	s6 =	sadd.s32 @!p0 $0x88, s6;
	s7 =	simm.s32 @p2 $0x1082  }
0x22: {  	[simem:s7], [sflag:s8] =	dma.local @!p0 [hbm:s6], $0xF7A  }
0x23: {  	s9 =	sor.u32 $0xD0000000, s2;
	s6 =	simm.s32 $0x108;
	_ =	swait.ge @!p0 [sflag:s8], $0x0  }
0x24: {  	s3 =	sadd.s32 $0x88, s3;
	s6 =	simm.s32 @!p1 $0x1082;
	[sflag:s4] =	ssyncset.s32 $0xFFFFF086  }
0x25: {  	[simem:s6], [sflag:s4] =	dma.local [hbm:s3], $0xF7A  }
0x26: {  	[smem:$0x3F99] =	sst s1;
	(tag) =	ssettag s2;
	_ =	strace s9  }
0x27: {  	s1 =	sld [smem:$0x3FA9]  }
0x28: {  	s2 =	sld [smem:$0x3FAA]  }
0x29: {  	s4 =	sld [smem:$0x3FAC]  }
0x2a: {  	p0 =	seq.s32 s5, $0x0;
	s5 =	sld [smem:$0x3FAD]  }
0x2b: {  	s6 =	sld [smem:$0x3FAE]  }
0x2c: {  	s7 =	sld [smem:$0x3FAF]  }
0x2d: {  	s3 =	simm.s32 $0x108;
	s8 =	sld [smem:$0x3FB0]  }
0x2e: {  	s3 =	simm.s32 @!p0 $0x1082;
	s9 =	sld [smem:$0x3FB1]  }
0x2f: {  	lr =	sadd.s32 s0, s3;
	s0 =	sld [smem:$0x3FA8]  }
0x30: {  	s3 =	sld [smem:$0x3FAB]  }
0x31: {  	[smem:$0x3FB4] =	sst s10  }
0x32: {  	s10 =	sld [smem:$0x3FB2];
	_ =	sdelay $0x3  }
0x33: {  	p0 =	seq.s32 s10, $0x1;
	s10 =	sld [smem:$0x3FB4];
	_ =	sdelay $0x3  }
0x34: {  	[smem:$0x3FB4] =	sst s10  }
0x35: {  	s10 =	sld [smem:$0x3FB3];
	_ =	sdelay $0x3  }
0x36: {  	p1 =	seq.s32 s10, $0x1;
	s10 =	sld [smem:$0x3FB4];
	_ =	sdelay $0x3  }
0x37: {  	[smem:$0x3FB4] =	sst s10  }
0x38: {  	s10 =	sld [smem:$0x3FB5]  }
0x39: {  	_ = 	snop;
	(pc) =	sbr.ind lr, $3  }
0x3a: {  	_ = 	snop  }
0x3b: {  	_ = 	snop  }
0x3c: {  	p2 =	seq.s32 s10, $0x1;
	s10 =	sld [smem:$0x3FB4]  }
0x3d: {  	_ =	shalt  }
0x3e: {  	_ =	shalt  }
0x3f: {  	_ =	shalt  }
0x40: {  	_ =	shalt  }
0x41: {  	_ =	shalt  }
0x42: {  	_ =	shalt  }
0x43: {  	_ =	shalt  }
0x44: {  	_ =	shalt  }
0x45: {  	_ =	shalt  }
0x46: {  	_ =	shalt  }
0x47: {  	_ =	shalt  }
0x48: {  	_ =	shalt  }
0x49: {  	_ =	shalt  }
0x4a: {  	_ =	shalt  }
0x4b: {  	_ =	shalt  }
0x4c: {  	_ =	shalt  }
0x4d: {  	_ =	shalt  }
0x4e: {  	_ =	shalt  }
0x4f: {  	_ =	shalt  }
0x50: {  	_ =	shalt  }
0x51: {  	_ =	shalt  }
0x52: {  	_ =	shalt  }
0x53: {  	_ =	shalt  }
0x54: {  	_ =	shalt  }
0x55: {  	_ =	shalt  }
0x56: {  	_ =	shalt  }
0x57: {  	_ =	shalt  }
0x58: {  	_ =	shalt  }
0x59: {  	_ =	shalt  }
0x5a: {  	_ =	shalt  }
0x5b: {  	_ =	shalt  }
0x5c: {  	_ =	shalt  }
0x5d: {  	_ =	shalt  }
0x5e: {  	_ =	shalt  }
0x5f: {  	_ =	shalt  }
0x60: {  	_ =	shalt  }
0x61: {  	_ =	shalt  }
0x62: {  	_ =	shalt  }
0x63: {  	_ =	shalt  }
0x64: {  	_ =	shalt  }
0x65: {  	_ =	shalt  }
0x66: {  	_ =	shalt  }
0x67: {  	_ =	shalt  }
0x68: {  	_ =	shalt  }
0x69: {  	_ =	shalt  }
0x6a: {  	_ =	shalt  }
0x6b: {  	_ =	shalt  }
0x6c: {  	_ =	shalt  }
0x6d: {  	_ =	shalt  }
0x6e: {  	_ =	shalt  }
0x6f: {  	_ =	shalt  }
0x70: {  	_ =	shalt  }
0x71: {  	_ =	shalt  }
0x72: {  	_ =	shalt  }
0x73: {  	_ =	shalt  }
0x74: {  	_ =	shalt  }
0x75: {  	_ =	shalt  }
0x76: {  	_ =	shalt  }
0x77: {  	_ =	shalt  }
0x78: {  	_ =	shalt  }
0x79: {  	_ =	shalt  }
0x7a: {  	_ =	shalt  }
0x7b: {  	_ =	shalt  }
0x7c: {  	_ =	shalt  }
0x7d: {  	_ =	shalt  }
0x7e: {  	_ =	shalt  }
0x7f: {  	_ =	shalt  }
0x80: {  	_ =	shalt  }
0x81: {  	_ =	shalt  }
0x82: {  	_ =	shalt  }
0x83: {  	_ =	shalt  }
0x84: {  	_ =	shalt  }
0x85: {  	_ =	shalt  }
0x86: {  	_ =	shalt  }
0x87: {  	_ =	shalt  }
.Lfunc_end0:
.L_simem_size_0:
called_computation_lowered:
.L_overlay_start_0:
0x88: {  	s2 =	sld [smem:$0x3FD9]  }
0x89: {  	s3 =	sld [smem:$0x3FFE];
	_ =	sdelay $0x1  }
0x8a: {  	s1 =	srdreg.scid  }
0x8b: {  	s0 =	sand.u32 $0x1, s1  }
0x8c: {  	s16 =	sshll.u32 s0, $0xA;
	s2 =	sadd.s32 s3, s2  }
0x8d: {  	s2 =	sadd.s32 s2, s16  }
0x8e: {  	[smem:$0x3FC0] =	sst s2  }
0x8f: {  	_ = 	snop  }
0x90: {  	(tm) =	ssettm $0x1  }
0x91: {  	s17 =	sld [smem:$0x3FFB];
	_ =	sdelay $0x3  }
0x92: {  	_ =	strace s17  }
0x93: {  	s2 =	sld [smem:$0x3FFC];
	_ =	sdelay $0x3  }
0x94: {  	_ =	strace s2  }
0x95: {  	s2 =	sld [smem:$0x3FFD];
	_ =	sdelay $0x3  }
0x96: {  	_ =	strace s2  }
0x97: {  	_ =	strace $0x8FFFFFFF  }
0x98: {  	s18 =	sld [smem:$0x3FDB];
	_ =	sdelay $0x1  }
0x99: {  	s19 =	simm.s32 $_scs_section_size  }
0x9a: {  	s4 =	simm.s32 $_size__tile_overlayer_lowered;
	s5 =	simm.s32 $_tile_overlayer_lowered  }
0x9b: {  	s22 =	simm.s32 $0x1BFF;
	s21 =	sshll.u32 s5, $0x1;
	s2 =	sadd.s32 s19, s18  }
0x9c: {  	s6 =	simm.s32 $0x0;
	s20 =	sshll.u32 s4, $0x1;
	s4 =	sadd.s32 s21, s2  }
0x9d: {  	[timem:s6], [sflag:s22] =	dma.local [hbm:s4], s20  }
0x9e: {  	_ =	swait.ge [sflag:s22], s20  }
0x9f: {  	s3 =	ssub.s32 $0x0, s20;
	[sflag:s22] =	ssyncset.done $0x0  }
0xa0: {  	[sflag:s22] =	ssyncadd.s32 s3;
	_ =	sdelay $0x1  }
0xa1: {  	s23 =	simm.s32 $0x1B8B  }
0xa2: {  	_ =	swait.ge [sflag:s23], $0x1  }
0xa3: {  	[sflag:s23] =	ssyncset.done $0x0  }
0xa4: {  	s25 =	simm.s32 $0x1B8E;
	s24 =	sld [smem:$0x3FFE];
	[sflag:s23] =	ssyncadd.s32 $0xFFFFFFFF  }
0xa5: {  	s26 =	simm.s32 $execute0_lowered;
	[smem:$0x3FD2] =	sst s25  }
0xa6: {  	s4 =	sshll.u32 s26, $0x1;
	_ =	strace $0x80000046;
	[dreg:$0x1] =	wrdreg $0xFFFFFFFF  }
0xa7: {  	s28 =	simm.s32 $_size_execute0_lowered;
	s2 =	sadd.s32 s2, s4;
	[dreg:$0x0] =	wrdreg $0x0  }
0xa8: {  	s4 =	sshll.u32 s28, $0x1;
	[dreg:$0x2] =	wrdreg s2  }
0xa9: {  	[dreg:$0x3] =	wrdreg s4  }
0xaa: {  	[dreg:$0x4] =	wrdreg $0xC0  }
0xab: {  	_ =	task [dreg:s6], $0x5FFFF  }
0xac: {  	[dreg:$0x1] =	wrdreg $0xFFFFFFFF  }
0xad: {  	[dreg:$0x0] =	wrdreg $0x60  }
0xae: {  	[dreg:$0x2] =	wrdreg s24  }
0xaf: {  	[dreg:$0x3] =	wrdreg $0x9  }
0xb0: {  	_ =	task.clear_ibuf [dreg:s6], $0x4FFFF;
	_ =	strace $0x90000046  }
0xb1: {  	s29 =	simm.s32 $0x9;
	_ =	strace $0x80000048  }
0xb2: {  	_ =	swait.ge [sflag:s29], $0x1  }
0xb3: {  	[sflag:s29] =	ssyncadd.s32 $0xFFFFFFFF  }
0xb4: {  	_ =	strace $0x90000048  }
0xb5: {  	_ =	sfence  }
0xb6: {  	s30 =	sld [smem:$0x0];
	_ =	sdelay $0x2  }
0xb7: {  	s31 =	sshll.u32 s1, $0xD;
	s1 =	sshrl.u32 s1, $0x2  }
0xb8: {  	s3 =	sand.u32 $0x4000, s31;
	s1 =	sadd.s32 s1, s30  }
0xb9: {  	s0 =	sor.u32 s3, s0;
	s1 =	sshll.u32 s1, $0x11  }
0xba: {  	s0 =	sor.u32 s1, s0  }
0xbb: {  	s0 =	sadd.s32 $0x8F2B, s0  }
0xbc: {  	[sflag:s0] =	ssyncadd.remote.s32 $0x1  }
0xbd: {  	_ =	sfence.sel $0xFFFF  }
0xbe: {  	[dreg:$0x0] =	wrdreg $0xFFFFFFFF;
	(pc) =	sbr.abs _section_cstart, $3  }
0xbf: {  	[dreg:$0x1] =	wrdreg $0xFFFFFFFF  }
0xc0: {  	_ =	task.clear_ibuf [dreg:s6], $0x2FFFF;
	_ =	strace $0x9FFFFFFF  }
0xc1: {  	(tm) =	ssettm $0x7FFFFFFF  }
tec
execute0_lowered:
.L_overlay_start_1:
0x0: {  	(tag) =	ssettag $0x1  }
0x1: {  	s0 =	rddreg [dreg:$0x0]  }
0x2: {  	s1 =	srdreg.scid;
	s5 =	stileid.u32  }
0x3: {  	s2 =	simm.s32 $0x0;
	s8 =	simm.s32 $0x2000;
	s16 =	simm.s32 $0x6000  }
0x4: {  	s12 =	simm.s32 $0x11800;
	s13 =	simm.s32 $0x12000;
	s14 =	simm.s32 $0x12800  }
0x5: {  	s15 =	simm.s32 $0x13000;
	s17 =	simm.s32 $0x13800;
	s18 =	simm.s32 $0x14000  }
0x6: {  	s19 =	simm.s32 $0x14800;
	s20 =	simm.s32 $0x15000;
	s21 =	simm.s32 $0x15800  }
0x7: {  	s22 =	simm.s32 $0x16000;
	s28 =	simm.s32 $0x18000;
	s29 =	simm.s32 $0x18800  }
0x8: {  	s30 =	simm.s32 $0x19000;
	s31 =	simm.s32 $0x19800;
	s10 =	simm.s32 $0x0  }
0x9: {  	s1 =	sand.u32 $0x1, s1;
	s3 =	sshll.u32 s5, $0xC;
	[smem:$0x7FF] =	sst s2  }
0xa: {  	s24 =	sshll.u32 s5, $0x11;
	s5 =	simm.s32 $0x3;
	s4 =	sshll.u32 s1, $0xB  }
0xb: {  	_ =	strace $0x80000047;
	s25 =	ssub.s32 $0x2, s1;
	s6 =	sadd.s32 s24, s0  }
0xc: {  	s1 =	sshll.u32 s1, $0x10;
	s24 =	simm.s32 $0xA000;
	s3 =	sor.u32 s4, s3  }
0xd: {  	s7 =	sshrl.u32 s25, $0x1;
	s1 =	sadd.s32 s1, s6;
	s3 =	sshrl.u32 s3, $0x1  }
.Ltmp0:
0xe: {  	s26 =	ssub.s32 s25, s7;
	s6 =	sadd.s32 $0x49200, s1;
	(pc) =	sbr.rel .LBB2_1-.Ltmp0, $4  }
0xf: {  	s1 =	simm.s32 $0xE000;
	s25 =	simm.s32 $0x17000;
	s23 =	sadd.s32 s3, s0  }
0x10: {  	v2 =	vlaneseq.u32;
	s3 =	sadd.s32 $0x1200, s0;
	s0 =	smax.u32 s26, $0x1;
	s26 =	simm.s32 $0x17800  }
0x11: {  	vm0 =	vmmov $0xffff;
	v1 =	vshrl.u32 v2, $0x3;
	s4 =	sadd.s32 $0x41200, s23;
	[dreg:$0x3] =	wrdreg s0;
	s23 =	simm.s32 $0x16800  }
0x12: {  	v0 =	vand.u32 $0x7, v2;
	v2 =	vor.u32 $0x8, v2;
	v1 =	vmul.u32 $0x8, v1;
	s0 =	simm.s32 $0x1;
	[dreg:$0x2] =	wrdreg s4;
	s4 =	simm.s32 $0x2  }
.LBB2_5:
0x13: {  	_ =	swait.ge [sflag:s5], $0x4000  }
0x14: {  	[sflag:s5] =	ssyncset.done $0x0  }
0x15: {  	[sflag:s5] =	ssyncadd.s32 $0xFFFFC000  }
0x16: {  	_ =	swait.ge [sflag:s5], $0x4000  }
0x17: {  	[sflag:s5] =	ssyncset.done $0x0  }
0x18: {  	[sflag:s5] =	ssyncadd.s32 $0xFFFFC000  }
0x19: {  	_ =	swait.ge [sflag:s5], $0x4000  }
0x1a: {  	[sflag:s5] =	ssyncset.done $0x0  }
0x1b: {  	s9 =	simm.s32 $0x4;
	[sflag:s5] =	ssyncadd.s32 $0xFFFFC000  }
0x1c: {  	_ =	swait.ge [sflag:s9], $0x4000  }
0x1d: {  	[sflag:s9] =	ssyncset.done $0x0  }
0x1e: {  	[sflag:s9] =	ssyncadd.s32 $0xFFFFC000  }
0x1f: {  	_ =	swait.ge [sflag:s9], $0x4000  }
0x20: {  	[sflag:s9] =	ssyncset.done $0x0  }
0x21: {  	[sflag:s9] =	ssyncadd.s32 $0xFFFFC000  }
0x22: {  	_ =	swait.ge [sflag:s9], $0x4000  }
0x23: {  	s10 =	rddreg [dreg:$0x4]  }
0x24: {  	s7 =	rddreg [dreg:$0x3];
	s10 =	sadd.s32 $0x1, s10  }
0x25: {  	p0 =	sne.s32 s10, s7  }
.Ltmp1:
0x26: {  	_ = 	snop;
	(pc) =	sbr.rel @!p0 .LBB2_6-.Ltmp1, $3  }
0x27: {  	_ =	sdelay $0x1  }
0x28: {  	[sflag:s9] =	ssyncset.done $0x0  }
0x29: {  	[sflag:s9] =	ssyncadd.s32 $0xFFFFC000  }
.LBB2_1:
0x2a: {  	[dreg:$0x4] =	wrdreg s10  }
0x2b: {  	s7 =	rddreg [dreg:$0x2];
	s11 =	simm.s32 $0x5  }
0x2c: {  	[tilespmem:s2], [sflag:$0x5] =	stream.linear.gather [hbm4b:s7+s2], $0x2000, $0x38;
	[tilespmem:$0x1A000] =	vst v63  }
0x2d: {  	_ =	swait.ge [sflag:s11], $0x2000  }
0x2e: {  	[sflag:s11] =	ssyncset.done $0x0  }
0x2f: {  	[sflag:s11] =	ssyncadd.s32 $0xFFFFE000  }
0x30: {  	v3 =	vld [tilespmem:$0x0];
	_ =	sdelay $0x4  }
0x31: {  	v4 =	vshll.u32 v3, $0x1  }
0x32: {  	v3 =	vand.u32 $0x7, v3;
	v4 =	vand.u32 $0xFFFFFFF0, v4  }
0x33: {  	v3 =	vor.u32 v3, v4  }
0x34: {  	v4 =	vperm.xlane v3, v0;
	_ =	sdelay $0x1  }
0x35: {  	v3 =	vperm.xlane v3, v2;
	v4 =	vadd.s32 v1, v4;
	_ =	sdelay $0x1  }
0x36: {  	v3 =	vadd.s32 v1, v3;
	_ =	sdelay $0x2  }
0x37: {  	[tilespmem:s8], [sflag:$0x1] =	stream.indirect_vreg.gather [hbm4b:s3+s2], $0x80, v4, vm0, $0xb8;
	[tilespmem:$0x1A000] =	vst v63  }
0x38: {  	s9 =	simm.s32 $0x2800  }
0x39: {  	[tilespmem:s9], [sflag:$0x1] =	stream.indirect_vreg.gather [hbm4b:s3+s2], $0x80, v3, vm0, $0xb8;
	[tilespmem:$0x1A000] =	vst v63  }
0x3a: {  	v3 =	vld [tilespmem:$0x10];
	_ =	sdelay $0x4  }
0x3b: {  	v53 =	vshll.u32 v3, $0x1  }
0x3c: {  	v3 =	vand.u32 $0x7, v3;
	v4 =	vand.u32 $0xFFFFFFF0, v53  }
0x3d: {  	v3 =	vor.u32 v3, v4  }
0x3e: {  	v4 =	vperm.xlane v3, v0;
	_ =	sdelay $0x1  }
0x3f: {  	v3 =	vperm.xlane v3, v2;
	v4 =	vadd.s32 v1, v4;
	_ =	sdelay $0x1  }
0x40: {  	v3 =	vadd.s32 v1, v3;
	_ =	sdelay $0x1  }
0x41: {  	s10 =	simm.s32 $0x3000  }
0x42: {  	[tilespmem:s10], [sflag:$0x1] =	stream.indirect_vreg.gather [hbm4b:s3+s2], $0x80, v4, vm0, $0xb8;
	[tilespmem:$0x1A000] =	vst v63  }
0x43: {  	s11 =	simm.s32 $0x3800  }
0x44: {  	[tilespmem:s11], [sflag:$0x1] =	stream.indirect_vreg.gather [hbm4b:s3+s2], $0x80, v3, vm0, $0xb8;
	[tilespmem:$0x1A000] =	vst v63  }
0x45: {  	v3 =	vld [tilespmem:$0x20];
	_ =	sdelay $0x4  }
0x46: {  	v54 =	vshll.u32 v3, $0x1  }
0x47: {  	v3 =	vand.u32 $0x7, v3;
	v4 =	vand.u32 $0xFFFFFFF0, v54  }
0x48: {  	v3 =	vor.u32 v3, v4  }
0x49: {  	v4 =	vperm.xlane v3, v0;
	_ =	sdelay $0x1  }
0x4a: {  	v3 =	vperm.xlane v3, v2;
	v4 =	vadd.s32 v1, v4;
	_ =	sdelay $0x1  }
0x4b: {  	v3 =	vadd.s32 v1, v3;
	_ =	sdelay $0x1  }
0x4c: {  	s9 =	simm.s32 $0x4000  }
0x4d: {  	[tilespmem:s9], [sflag:$0x1] =	stream.indirect_vreg.gather [hbm4b:s3+s2], $0x80, v4, vm0, $0xb8;
	[tilespmem:$0x1A000] =	vst v63  }
0x4e: {  	s10 =	simm.s32 $0x4800  }
0x4f: {  	[tilespmem:s10], [sflag:$0x1] =	stream.indirect_vreg.gather [hbm4b:s3+s2], $0x80, v3, vm0, $0xb8;
	[tilespmem:$0x1A000] =	vst v63  }
0x50: {  	v3 =	vld [tilespmem:$0x30];
	_ =	sdelay $0x4  }
0x51: {  	v55 =	vshll.u32 v3, $0x1  }
0x52: {  	v3 =	vand.u32 $0x7, v3;
	v4 =	vand.u32 $0xFFFFFFF0, v55  }
0x53: {  	v3 =	vor.u32 v3, v4  }
0x54: {  	v4 =	vperm.xlane v3, v0;
	_ =	sdelay $0x1  }
0x55: {  	v3 =	vperm.xlane v3, v2;
	v4 =	vadd.s32 v1, v4;
	_ =	sdelay $0x1  }
0x56: {  	v3 =	vadd.s32 v1, v3;
	_ =	sdelay $0x1  }
0x57: {  	s11 =	simm.s32 $0x5000  }
0x58: {  	[tilespmem:s11], [sflag:$0x1] =	stream.indirect_vreg.gather [hbm4b:s3+s2], $0x80, v4, vm0, $0xb8;
	[tilespmem:$0x1A000] =	vst v63  }
0x59: {  	s9 =	simm.s32 $0x5800  }
0x5a: {  	[tilespmem:s9], [sflag:$0x1] =	stream.indirect_vreg.gather [hbm4b:s3+s2], $0x80, v3, vm0, $0xb8;
	[tilespmem:$0x1A000] =	vst v63  }
0x5b: {  	v3 =	vld [tilespmem:$0x80];
	_ =	sdelay $0x4  }
0x5c: {  	v56 =	vshll.u32 v3, $0x1  }
0x5d: {  	v3 =	vand.u32 $0x7, v3;
	v4 =	vand.u32 $0xFFFFFFF0, v56  }
0x5e: {  	v3 =	vor.u32 v3, v4  }
0x5f: {  	v4 =	vperm.xlane v3, v0;
	_ =	sdelay $0x1  }
0x60: {  	v3 =	vperm.xlane v3, v2;
	v4 =	vadd.s32 v1, v4;
	_ =	sdelay $0x1  }
0x61: {  	v3 =	vadd.s32 v1, v3;
	_ =	sdelay $0x2  }
0x62: {  	[tilespmem:s16], [sflag:$0x1] =	stream.indirect_vreg.gather [hbm4b:s3+s2], $0x80, v4, vm0, $0xb8;
	[tilespmem:$0x1A000] =	vst v63  }
0x63: {  	s10 =	simm.s32 $0x6800  }
0x64: {  	[tilespmem:s10], [sflag:$0x1] =	stream.indirect_vreg.gather [hbm4b:s3+s2], $0x80, v3, vm0, $0xb8;
	[tilespmem:$0x1A000] =	vst v63  }
0x65: {  	v3 =	vld [tilespmem:$0x90];
	_ =	sdelay $0x4  }
0x66: {  	v57 =	vshll.u32 v3, $0x1  }
0x67: {  	v3 =	vand.u32 $0x7, v3;
	v4 =	vand.u32 $0xFFFFFFF0, v57  }
0x68: {  	v3 =	vor.u32 v3, v4  }
0x69: {  	v4 =	vperm.xlane v3, v0;
	_ =	sdelay $0x1  }
0x6a: {  	v3 =	vperm.xlane v3, v2;
	v4 =	vadd.s32 v1, v4;
	_ =	sdelay $0x1  }
0x6b: {  	v3 =	vadd.s32 v1, v3;
	_ =	sdelay $0x1  }
0x6c: {  	s11 =	simm.s32 $0x7000  }
0x6d: {  	[tilespmem:s11], [sflag:$0x1] =	stream.indirect_vreg.gather [hbm4b:s3+s2], $0x80, v4, vm0, $0xb8;
	[tilespmem:$0x1A000] =	vst v63  }
0x6e: {  	s9 =	simm.s32 $0x7800  }
0x6f: {  	[tilespmem:s9], [sflag:$0x1] =	stream.indirect_vreg.gather [hbm4b:s3+s2], $0x80, v3, vm0, $0xb8;
	[tilespmem:$0x1A000] =	vst v63  }
0x70: {  	v3 =	vld [tilespmem:$0xA0];
	_ =	sdelay $0x4  }
0x71: {  	v58 =	vshll.u32 v3, $0x1  }
0x72: {  	v3 =	vand.u32 $0x7, v3;
	v4 =	vand.u32 $0xFFFFFFF0, v58  }
0x73: {  	v3 =	vor.u32 v3, v4  }
0x74: {  	v4 =	vperm.xlane v3, v0;
	_ =	sdelay $0x1  }
0x75: {  	v3 =	vperm.xlane v3, v2;
	v4 =	vadd.s32 v1, v4;
	_ =	sdelay $0x1  }
0x76: {  	v3 =	vadd.s32 v1, v3;
	_ =	sdelay $0x1  }
0x77: {  	s10 =	simm.s32 $0x8000  }
0x78: {  	[tilespmem:s10], [sflag:$0x1] =	stream.indirect_vreg.gather [hbm4b:s3+s2], $0x80, v4, vm0, $0xb8;
	[tilespmem:$0x1A000] =	vst v63  }
0x79: {  	s11 =	simm.s32 $0x8800  }
0x7a: {  	[tilespmem:s11], [sflag:$0x1] =	stream.indirect_vreg.gather [hbm4b:s3+s2], $0x80, v3, vm0, $0xb8;
	[tilespmem:$0x1A000] =	vst v63  }
0x7b: {  	v3 =	vld [tilespmem:$0xB0];
	_ =	sdelay $0x4  }
0x7c: {  	v59 =	vshll.u32 v3, $0x1  }
0x7d: {  	v3 =	vand.u32 $0x7, v3;
	v4 =	vand.u32 $0xFFFFFFF0, v59  }
0x7e: {  	v3 =	vor.u32 v3, v4  }
0x7f: {  	v4 =	vperm.xlane v3, v0;
	_ =	sdelay $0x1  }
0x80: {  	v3 =	vperm.xlane v3, v2;
	v4 =	vadd.s32 v1, v4;
	_ =	sdelay $0x1  }
0x81: {  	v3 =	vadd.s32 v1, v3;
	_ =	sdelay $0x1  }
0x82: {  	s9 =	simm.s32 $0x9000  }
0x83: {  	[tilespmem:s9], [sflag:$0x1] =	stream.indirect_vreg.gather [hbm4b:s3+s2], $0x80, v4, vm0, $0xb8;
	[tilespmem:$0x1A000] =	vst v63  }
0x84: {  	s10 =	simm.s32 $0x9800  }
0x85: {  	[tilespmem:s10], [sflag:$0x1] =	stream.indirect_vreg.gather [hbm4b:s3+s2], $0x80, v3, vm0, $0xb8;
	[tilespmem:$0x1A000] =	vst v63  }
0x86: {  	v3 =	vld [tilespmem:$0x100];
	_ =	sdelay $0x4  }
0x87: {  	v60 =	vshll.u32 v3, $0x1  }
0x88: {  	v3 =	vand.u32 $0x7, v3;
	v4 =	vand.u32 $0xFFFFFFF0, v60  }
0x89: {  	v3 =	vor.u32 v3, v4  }
0x8a: {  	v4 =	vperm.xlane v3, v0;
	_ =	sdelay $0x1  }
0x8b: {  	v3 =	vperm.xlane v3, v2;
	v4 =	vadd.s32 v1, v4;
	_ =	sdelay $0x1  }
0x8c: {  	v3 =	vadd.s32 v1, v3;
	_ =	sdelay $0x2  }
0x8d: {  	[tilespmem:s24], [sflag:$0x1] =	stream.indirect_vreg.gather [hbm4b:s3+s2], $0x80, v4, vm0, $0xb8;
	[tilespmem:$0x1A000] =	vst v63  }
0x8e: {  	s11 =	simm.s32 $0xA800  }
0x8f: {  	[tilespmem:s11], [sflag:$0x1] =	stream.indirect_vreg.gather [hbm4b:s3+s2], $0x80, v3, vm0, $0xb8;
	[tilespmem:$0x1A000] =	vst v63  }
0x90: {  	v3 =	vld [tilespmem:$0x110];
	_ =	sdelay $0x4  }
0x91: {  	v61 =	vshll.u32 v3, $0x1  }
0x92: {  	v3 =	vand.u32 $0x7, v3;
	v4 =	vand.u32 $0xFFFFFFF0, v61  }
0x93: {  	v3 =	vor.u32 v3, v4  }
0x94: {  	v4 =	vperm.xlane v3, v0;
	_ =	sdelay $0x1  }
0x95: {  	v3 =	vperm.xlane v3, v2;
	v4 =	vadd.s32 v1, v4;
	_ =	sdelay $0x1  }
0x96: {  	v3 =	vadd.s32 v1, v3;
	_ =	sdelay $0x1  }
0x97: {  	s9 =	simm.s32 $0xB000  }
0x98: {  	[tilespmem:s9], [sflag:$0x1] =	stream.indirect_vreg.gather [hbm4b:s3+s2], $0x80, v4, vm0, $0xb8;
	[tilespmem:$0x1A000] =	vst v63  }
0x99: {  	s10 =	simm.s32 $0xB800  }
0x9a: {  	[tilespmem:s10], [sflag:$0x1] =	stream.indirect_vreg.gather [hbm4b:s3+s2], $0x80, v3, vm0, $0xb8;
	[tilespmem:$0x1A000] =	vst v63  }
0x9b: {  	v3 =	vld [tilespmem:$0x120];
	_ =	sdelay $0x4  }
0x9c: {  	v62 =	vshll.u32 v3, $0x1  }
0x9d: {  	v3 =	vand.u32 $0x7, v3;
	v4 =	vand.u32 $0xFFFFFFF0, v62  }
0x9e: {  	v3 =	vor.u32 v3, v4  }
0x9f: {  	v4 =	vperm.xlane v3, v0;
	_ =	sdelay $0x1  }
0xa0: {  	v3 =	vperm.xlane v3, v2;
	v4 =	vadd.s32 v1, v4;
	_ =	sdelay $0x1  }
0xa1: {  	v3 =	vadd.s32 v1, v3;
	_ =	sdelay $0x1  }
0xa2: {  	s11 =	simm.s32 $0xC000  }
0xa3: {  	[tilespmem:s11], [sflag:$0x1] =	stream.indirect_vreg.gather [hbm4b:s3+s2], $0x80, v4, vm0, $0xb8;
	[tilespmem:$0x1A000] =	vst v63  }
0xa4: {  	s9 =	simm.s32 $0xC800  }
0xa5: {  	[tilespmem:s9], [sflag:$0x1] =	stream.indirect_vreg.gather [hbm4b:s3+s2], $0x80, v3, vm0, $0xb8;
	[tilespmem:$0x1A000] =	vst v63  }
0xa6: {  	v3 =	vld [tilespmem:$0x130];
	_ =	sdelay $0x4  }
0xa7: {  	v63 =	vshll.u32 v3, $0x1  }
0xa8: {  	v3 =	vand.u32 $0x7, v3;
	v4 =	vand.u32 $0xFFFFFFF0, v63  }
0xa9: {  	v3 =	vor.u32 v3, v4  }
0xaa: {  	v4 =	vperm.xlane v3, v0;
	_ =	sdelay $0x1  }
0xab: {  	v3 =	vperm.xlane v3, v2;
	v4 =	vadd.s32 v1, v4;
	_ =	sdelay $0x1  }
0xac: {  	v3 =	vadd.s32 v1, v3  }
.Ltmp2:
0xad: {  	_ = 	snop;
	(pc) =	sbr.rel .LBB2_2-.Ltmp2, $4  }
0xae: {  	s10 =	simm.s32 $0xD000  }
0xaf: {  	[tilespmem:s10], [sflag:$0x1] =	stream.indirect_vreg.gather [hbm4b:s3+s2], $0x80, v4, vm0, $0xb8;
	[tilespmem:$0x1A000] =	vst v63  }
0xb0: {  	s7 =	simm.s32 $0x200;
	s11 =	simm.s32 $0xD800;
	s9 =	simm.s32 $0x0  }
0xb1: {  	[tilespmem:s11], [sflag:$0x1] =	stream.indirect_vreg.gather [hbm4b:s3+s2], $0x80, v3, vm0, $0xb8;
	[tilespmem:$0x1A000] =	vst v63  }
.LBB2_4:
0xb2: {  	_ =	swait.ge [sflag:s4], $0x4000  }
0xb3: {  	[sflag:s4] =	ssyncset.done $0x0  }
0xb4: {  	[sflag:s4] =	ssyncadd.s32 $0xFFFFC000  }
0xb5: {  	_ =	swait.ge [sflag:s4], $0x4000  }
0xb6: {  	[sflag:s4] =	ssyncset.done $0x0  }
0xb7: {  	[sflag:s4] =	ssyncadd.s32 $0xFFFFC000  }
0xb8: {  	_ =	swait.ge [sflag:s4], $0x4000  }
0xb9: {  	s9 =	sadd.s32 $0x1000, s9;
	[sflag:s4] =	ssyncset.done $0x0  }
0xba: {  	s11 =	sadd.s32 $0x800, s10;
	p0 =	sne.s32 s9, $0x10000;
	[sflag:s4] =	ssyncadd.s32 $0xFFFFC000  }
0xbb: {  	[hbm4b:s11+s2] =	stream.linear.scatter [tilespmem:s1], [sflag:$0x4], $0x4000, $0x38;
	[tilespmem:$0x1A000] =	vst v63  }
.Ltmp3:
0xbc: {  	_ = 	snop;
	(pc) =	sbr.rel @!p0 .LBB2_5-.Ltmp3, $4  }
0xbd: {  	s11 =	sadd.s32 $0x200800, s10  }
0xbe: {  	[hbm4b:s11+s2] =	stream.linear.scatter [tilespmem:s13], [sflag:$0x4], $0x4000, $0x38;
	[tilespmem:$0x1A000] =	vst v63  }
0xbf: {  	s7 =	sadd.s32 $0x200, s7;
	s11 =	sadd.s32 $0x400800, s10  }
0xc0: {  	[hbm4b:s11+s2] =	stream.linear.scatter [tilespmem:s22], [sflag:$0x4], $0x4000, $0x38;
	[tilespmem:$0x1A000] =	vst v63  }
.LBB2_2:
0xc1: {  	p0 =	seq.s32 s9, $0x0  }
0xc2: {  	s10 =	simm.s32 @!p0 $0x4  }
0xc3: {  	_ =	swait.ge @!p0 [sflag:s10], $0x4000  }
0xc4: {  	[sflag:s10] =	ssyncset.done @!p0 $0x0  }
0xc5: {  	[sflag:s10] =	ssyncadd.s32 @!p0 $0xFFFFC000  }
0xc6: {  	_ =	swait.ge @!p0 [sflag:s10], $0x4000  }
0xc7: {  	[sflag:s10] =	ssyncset.done @!p0 $0x0  }
0xc8: {  	[sflag:s10] =	ssyncadd.s32 @!p0 $0xFFFFC000  }
0xc9: {  	_ =	swait.ge @!p0 [sflag:s10], $0x4000  }
0xca: {  	[sflag:s10] =	ssyncset.done @!p0 $0x0  }
0xcb: {  	[sflag:s10] =	ssyncadd.s32 @!p0 $0xFFFFC000  }
0xcc: {  	v3 =	vld [tilespmem:s7+$0xFFFFFE40];
	_ =	sdelay $0x4  }
0xcd: {  	v4 =	vshll.u32 v3, $0x1  }
0xce: {  	v3 =	vand.u32 $0x7, v3;
	v4 =	vand.u32 $0xFFFFFFF0, v4  }
0xcf: {  	v3 =	vor.u32 v3, v4  }
0xd0: {  	v4 =	vperm.xlane v3, v0;
	_ =	sdelay $0x1  }
0xd1: {  	v3 =	vperm.xlane v3, v2;
	v4 =	vadd.s32 v1, v4;
	_ =	sdelay $0x1  }
0xd2: {  	v3 =	vadd.s32 v1, v3;
	_ =	sdelay $0x2  }
0xd3: {  	[tilespmem:s1], [sflag:$0x2] =	stream.indirect_vreg.gather [hbm4b:s3+s2], $0x80, v4, vm0, $0xb8;
	[tilespmem:$0x1A000] =	vst v63  }
0xd4: {  	s11 =	simm.s32 $0xE800  }
0xd5: {  	[tilespmem:s11], [sflag:$0x2] =	stream.indirect_vreg.gather [hbm4b:s3+s2], $0x80, v3, vm0, $0xb8;
	[tilespmem:$0x1A000] =	vst v63  }
0xd6: {  	v3 =	vld [tilespmem:s7+$0xFFFFFE50];
	_ =	sdelay $0x4  }
0xd7: {  	v53 =	vshll.u32 v3, $0x1  }
0xd8: {  	v3 =	vand.u32 $0x7, v3;
	v4 =	vand.u32 $0xFFFFFFF0, v53  }
0xd9: {  	v3 =	vor.u32 v3, v4  }
0xda: {  	v4 =	vperm.xlane v3, v0;
	_ =	sdelay $0x1  }
0xdb: {  	v3 =	vperm.xlane v3, v2;
	v4 =	vadd.s32 v1, v4;
	_ =	sdelay $0x1  }
0xdc: {  	v3 =	vadd.s32 v1, v3;
	_ =	sdelay $0x1  }
0xdd: {  	s11 =	simm.s32 $0xF000  }
0xde: {  	[tilespmem:s11], [sflag:$0x2] =	stream.indirect_vreg.gather [hbm4b:s3+s2], $0x80, v4, vm0, $0xb8;
	[tilespmem:$0x1A000] =	vst v63  }
0xdf: {  	s11 =	simm.s32 $0xF800  }
0xe0: {  	[tilespmem:s11], [sflag:$0x2] =	stream.indirect_vreg.gather [hbm4b:s3+s2], $0x80, v3, vm0, $0xb8;
	[tilespmem:$0x1A000] =	vst v63  }
0xe1: {  	v3 =	vld [tilespmem:s7+$0xFFFFFE60];
	_ =	sdelay $0x4  }
0xe2: {  	v54 =	vshll.u32 v3, $0x1  }
0xe3: {  	v3 =	vand.u32 $0x7, v3;
	v4 =	vand.u32 $0xFFFFFFF0, v54  }
0xe4: {  	v3 =	vor.u32 v3, v4  }
0xe5: {  	v4 =	vperm.xlane v3, v0;
	_ =	sdelay $0x1  }
0xe6: {  	v3 =	vperm.xlane v3, v2;
	v4 =	vadd.s32 v1, v4;
	_ =	sdelay $0x1  }
0xe7: {  	v3 =	vadd.s32 v1, v3;
	_ =	sdelay $0x1  }
0xe8: {  	s11 =	simm.s32 $0x10000  }
0xe9: {  	[tilespmem:s11], [sflag:$0x2] =	stream.indirect_vreg.gather [hbm4b:s3+s2], $0x80, v4, vm0, $0xb8;
	[tilespmem:$0x1A000] =	vst v63  }
0xea: {  	s11 =	simm.s32 $0x10800  }
0xeb: {  	[tilespmem:s11], [sflag:$0x2] =	stream.indirect_vreg.gather [hbm4b:s3+s2], $0x80, v3, vm0, $0xb8;
	[tilespmem:$0x1A000] =	vst v63  }
0xec: {  	v3 =	vld [tilespmem:s7+$0xFFFFFE70];
	_ =	sdelay $0x4  }
0xed: {  	v55 =	vshll.u32 v3, $0x1  }
0xee: {  	v3 =	vand.u32 $0x7, v3;
	v4 =	vand.u32 $0xFFFFFFF0, v55  }
0xef: {  	v3 =	vor.u32 v3, v4  }
0xf0: {  	v4 =	vperm.xlane v3, v0;
	_ =	sdelay $0x1  }
0xf1: {  	v3 =	vperm.xlane v3, v2;
	v4 =	vadd.s32 v1, v4;
	_ =	sdelay $0x1  }
0xf2: {  	v3 =	vadd.s32 v1, v3;
	_ =	sdelay $0x1  }
0xf3: {  	s11 =	simm.s32 $0x11000  }
0xf4: {  	[tilespmem:s11], [sflag:$0x2] =	stream.indirect_vreg.gather [hbm4b:s3+s2], $0x80, v4, vm0, $0xb8;
	[tilespmem:$0x1A000] =	vst v63  }
0xf5: {  	_ = 	snop  }
0xf6: {  	[tilespmem:s12], [sflag:$0x2] =	stream.indirect_vreg.gather [hbm4b:s3+s2], $0x80, v3, vm0, $0xb8;
	[tilespmem:$0x1A000] =	vst v63  }
0xf7: {  	v3 =	vld [tilespmem:s7+$0xFFFFFEC0];
	_ =	sdelay $0x4  }
0xf8: {  	v56 =	vshll.u32 v3, $0x1  }
0xf9: {  	v3 =	vand.u32 $0x7, v3;
	v4 =	vand.u32 $0xFFFFFFF0, v56  }
0xfa: {  	v3 =	vor.u32 v3, v4  }
0xfb: {  	v4 =	vperm.xlane v3, v0;
	_ =	sdelay $0x1  }
0xfc: {  	v3 =	vperm.xlane v3, v2;
	v4 =	vadd.s32 v1, v4;
	_ =	sdelay $0x1  }
0xfd: {  	v3 =	vadd.s32 v1, v3;
	_ =	sdelay $0x2  }
0xfe: {  	[tilespmem:s13], [sflag:$0x2] =	stream.indirect_vreg.gather [hbm4b:s3+s2], $0x80, v4, vm0, $0xb8;
	[tilespmem:$0x1A000] =	vst v63  }
0xff: {  	_ = 	snop  }
0x100: {  	[tilespmem:s14], [sflag:$0x2] =	stream.indirect_vreg.gather [hbm4b:s3+s2], $0x80, v3, vm0, $0xb8;
	[tilespmem:$0x1A000] =	vst v63  }
0x101: {  	v3 =	vld [tilespmem:s7+$0xFFFFFED0];
	_ =	sdelay $0x4  }
0x102: {  	v57 =	vshll.u32 v3, $0x1  }
0x103: {  	v3 =	vand.u32 $0x7, v3;
	v4 =	vand.u32 $0xFFFFFFF0, v57  }
0x104: {  	v3 =	vor.u32 v3, v4  }
0x105: {  	v4 =	vperm.xlane v3, v0;
	_ =	sdelay $0x1  }
0x106: {  	v3 =	vperm.xlane v3, v2;
	v4 =	vadd.s32 v1, v4;
	_ =	sdelay $0x1  }
0x107: {  	v3 =	vadd.s32 v1, v3;
	_ =	sdelay $0x2  }
0x108: {  	[tilespmem:s15], [sflag:$0x2] =	stream.indirect_vreg.gather [hbm4b:s3+s2], $0x80, v4, vm0, $0xb8;
	[tilespmem:$0x1A000] =	vst v63  }
0x109: {  	_ = 	snop  }
0x10a: {  	[tilespmem:s17], [sflag:$0x2] =	stream.indirect_vreg.gather [hbm4b:s3+s2], $0x80, v3, vm0, $0xb8;
	[tilespmem:$0x1A000] =	vst v63  }
0x10b: {  	v3 =	vld [tilespmem:s7+$0xFFFFFEE0];
	_ =	sdelay $0x4  }
0x10c: {  	v58 =	vshll.u32 v3, $0x1  }
0x10d: {  	v3 =	vand.u32 $0x7, v3;
	v4 =	vand.u32 $0xFFFFFFF0, v58  }
0x10e: {  	v3 =	vor.u32 v3, v4  }
0x10f: {  	v4 =	vperm.xlane v3, v0;
	_ =	sdelay $0x1  }
0x110: {  	v3 =	vperm.xlane v3, v2;
	v4 =	vadd.s32 v1, v4;
	_ =	sdelay $0x1  }
0x111: {  	v3 =	vadd.s32 v1, v3;
	_ =	sdelay $0x2  }
0x112: {  	[tilespmem:s18], [sflag:$0x2] =	stream.indirect_vreg.gather [hbm4b:s3+s2], $0x80, v4, vm0, $0xb8;
	[tilespmem:$0x1A000] =	vst v63  }
0x113: {  	_ = 	snop  }
0x114: {  	[tilespmem:s19], [sflag:$0x2] =	stream.indirect_vreg.gather [hbm4b:s3+s2], $0x80, v3, vm0, $0xb8;
	[tilespmem:$0x1A000] =	vst v63  }
0x115: {  	v3 =	vld [tilespmem:s7+$0xFFFFFEF0];
	_ =	sdelay $0x4  }
0x116: {  	v59 =	vshll.u32 v3, $0x1  }
0x117: {  	v3 =	vand.u32 $0x7, v3;
	v4 =	vand.u32 $0xFFFFFFF0, v59  }
0x118: {  	v3 =	vor.u32 v3, v4  }
0x119: {  	v4 =	vperm.xlane v3, v0;
	_ =	sdelay $0x1  }
0x11a: {  	v3 =	vperm.xlane v3, v2;
	v4 =	vadd.s32 v1, v4;
	_ =	sdelay $0x1  }
0x11b: {  	v3 =	vadd.s32 v1, v3;
	_ =	sdelay $0x2  }
0x11c: {  	[tilespmem:s20], [sflag:$0x2] =	stream.indirect_vreg.gather [hbm4b:s3+s2], $0x80, v4, vm0, $0xb8;
	[tilespmem:$0x1A000] =	vst v63  }
0x11d: {  	_ = 	snop  }
0x11e: {  	[tilespmem:s21], [sflag:$0x2] =	stream.indirect_vreg.gather [hbm4b:s3+s2], $0x80, v3, vm0, $0xb8;
	[tilespmem:$0x1A000] =	vst v63  }
0x11f: {  	v3 =	vld [tilespmem:s7+$0xFFFFFF40];
	_ =	sdelay $0x4  }
0x120: {  	v60 =	vshll.u32 v3, $0x1  }
0x121: {  	v3 =	vand.u32 $0x7, v3;
	v4 =	vand.u32 $0xFFFFFFF0, v60  }
0x122: {  	v3 =	vor.u32 v3, v4  }
0x123: {  	v4 =	vperm.xlane v3, v0;
	_ =	sdelay $0x1  }
0x124: {  	v3 =	vperm.xlane v3, v2;
	v4 =	vadd.s32 v1, v4;
	_ =	sdelay $0x1  }
0x125: {  	v3 =	vadd.s32 v1, v3;
	_ =	sdelay $0x2  }
0x126: {  	[tilespmem:s22], [sflag:$0x2] =	stream.indirect_vreg.gather [hbm4b:s3+s2], $0x80, v4, vm0, $0xb8;
	[tilespmem:$0x1A000] =	vst v63  }
0x127: {  	_ = 	snop  }
0x128: {  	[tilespmem:s23], [sflag:$0x2] =	stream.indirect_vreg.gather [hbm4b:s3+s2], $0x80, v3, vm0, $0xb8;
	[tilespmem:$0x1A000] =	vst v63  }
0x129: {  	v3 =	vld [tilespmem:s7+$0xFFFFFF50];
	_ =	sdelay $0x4  }
0x12a: {  	v61 =	vshll.u32 v3, $0x1  }
0x12b: {  	v3 =	vand.u32 $0x7, v3;
	v4 =	vand.u32 $0xFFFFFFF0, v61  }
0x12c: {  	v3 =	vor.u32 v3, v4  }
0x12d: {  	v4 =	vperm.xlane v3, v0;
	_ =	sdelay $0x1  }
0x12e: {  	v3 =	vperm.xlane v3, v2;
	v4 =	vadd.s32 v1, v4;
	_ =	sdelay $0x1  }
0x12f: {  	v3 =	vadd.s32 v1, v3;
	_ =	sdelay $0x2  }
0x130: {  	[tilespmem:s25], [sflag:$0x2] =	stream.indirect_vreg.gather [hbm4b:s3+s2], $0x80, v4, vm0, $0xb8;
	[tilespmem:$0x1A000] =	vst v63  }
0x131: {  	_ = 	snop  }
0x132: {  	[tilespmem:s26], [sflag:$0x2] =	stream.indirect_vreg.gather [hbm4b:s3+s2], $0x80, v3, vm0, $0xb8;
	[tilespmem:$0x1A000] =	vst v63  }
0x133: {  	v3 =	vld [tilespmem:s7+$0xFFFFFF60];
	_ =	sdelay $0x4  }
0x134: {  	v62 =	vshll.u32 v3, $0x1  }
0x135: {  	v3 =	vand.u32 $0x7, v3;
	v4 =	vand.u32 $0xFFFFFFF0, v62  }
0x136: {  	v3 =	vor.u32 v3, v4  }
0x137: {  	v4 =	vperm.xlane v3, v0;
	_ =	sdelay $0x1  }
0x138: {  	v3 =	vperm.xlane v3, v2;
	v4 =	vadd.s32 v1, v4;
	_ =	sdelay $0x1  }
0x139: {  	v3 =	vadd.s32 v1, v3;
	_ =	sdelay $0x2  }
0x13a: {  	[tilespmem:s28], [sflag:$0x2] =	stream.indirect_vreg.gather [hbm4b:s3+s2], $0x80, v4, vm0, $0xb8;
	[tilespmem:$0x1A000] =	vst v63  }
0x13b: {  	_ = 	snop  }
0x13c: {  	[tilespmem:s29], [sflag:$0x2] =	stream.indirect_vreg.gather [hbm4b:s3+s2], $0x80, v3, vm0, $0xb8;
	[tilespmem:$0x1A000] =	vst v63  }
0x13d: {  	v3 =	vld [tilespmem:s7+$0xFFFFFF70];
	_ =	sdelay $0x4  }
0x13e: {  	v63 =	vshll.u32 v3, $0x1  }
0x13f: {  	v3 =	vand.u32 $0x7, v3;
	v4 =	vand.u32 $0xFFFFFFF0, v63  }
0x140: {  	v3 =	vor.u32 v3, v4  }
0x141: {  	v4 =	vperm.xlane v3, v0;
	_ =	sdelay $0x1  }
0x142: {  	v3 =	vperm.xlane v3, v2;
	v4 =	vadd.s32 v1, v4;
	_ =	sdelay $0x1  }
0x143: {  	v3 =	vadd.s32 v1, v3;
	_ =	sdelay $0x2  }
0x144: {  	[tilespmem:s30], [sflag:$0x2] =	stream.indirect_vreg.gather [hbm4b:s3+s2], $0x80, v4, vm0, $0xb8;
	[tilespmem:$0x1A000] =	vst v63  }
0x145: {  	_ = 	snop  }
0x146: {  	[tilespmem:s31], [sflag:$0x2] =	stream.indirect_vreg.gather [hbm4b:s3+s2], $0x80, v3, vm0, $0xb8;
	[tilespmem:$0x1A000] =	vst v63  }
0x147: {  	_ =	swait.ge [sflag:s0], $0x4000  }
0x148: {  	[sflag:s0] =	ssyncset.done $0x0  }
0x149: {  	[sflag:s0] =	ssyncadd.s32 $0xFFFFC000  }
0x14a: {  	_ =	swait.ge [sflag:s0], $0x4000  }
0x14b: {  	[sflag:s0] =	ssyncset.done $0x0  }
0x14c: {  	[sflag:s0] =	ssyncadd.s32 $0xFFFFC000  }
0x14d: {  	_ =	swait.ge [sflag:s0], $0x4000  }
0x14e: {  	[sflag:s0] =	ssyncset.done $0x0  }
0x14f: {  	s10 =	sadd.s32 s9, s6;
	p0 =	seq.s32 s9, $0xF000;
	[sflag:s0] =	ssyncadd.s32 $0xFFFFC000  }
0x150: {  	[hbm4b:s10+s2] =	stream.linear.scatter [tilespmem:s8], [sflag:$0x3], $0x4000, $0x38;
	[tilespmem:$0x1A000] =	vst v63  }
.Ltmp4:
0x151: {  	_ = 	snop;
	(pc) =	sbr.rel @p0 .LBB2_4-.Ltmp4, $4  }
0x152: {  	s11 =	sadd.s32 $0x200000, s10  }
0x153: {  	[hbm4b:s11+s2] =	stream.linear.scatter [tilespmem:s16], [sflag:$0x3], $0x4000, $0x38;
	[tilespmem:$0x1A000] =	vst v63  }
0x154: {  	s11 =	sadd.s32 $0x400000, s10  }
0x155: {  	[hbm4b:s11+s2] =	stream.linear.scatter [tilespmem:s24], [sflag:$0x3], $0x4000, $0x38;
	[tilespmem:$0x1A000] =	vst v63  }
0x156: {  	_ =	swait.ge [sflag:s5], $0x4000  }
0x157: {  	[sflag:s5] =	ssyncset.done $0x0  }
0x158: {  	[sflag:s5] =	ssyncadd.s32 $0xFFFFC000  }
0x159: {  	_ =	swait.ge [sflag:s5], $0x4000  }
0x15a: {  	[sflag:s5] =	ssyncset.done $0x0  }
0x15b: {  	[sflag:s5] =	ssyncadd.s32 $0xFFFFC000  }
0x15c: {  	_ =	swait.ge [sflag:s5], $0x4000  }
0x15d: {  	[sflag:s5] =	ssyncset.done $0x0  }
0x15e: {  	[sflag:s5] =	ssyncadd.s32 $0xFFFFC000  }
0x15f: {  	v3 =	vld [tilespmem:s7+$0x0];
	_ =	sdelay $0x4  }
0x160: {  	v4 =	vshll.u32 v3, $0x1  }
0x161: {  	v3 =	vand.u32 $0x7, v3;
	v4 =	vand.u32 $0xFFFFFFF0, v4  }
0x162: {  	v3 =	vor.u32 v3, v4  }
0x163: {  	v4 =	vperm.xlane v3, v0;
	_ =	sdelay $0x1  }
0x164: {  	v3 =	vperm.xlane v3, v2;
	v4 =	vadd.s32 v1, v4;
	_ =	sdelay $0x1  }
0x165: {  	v3 =	vadd.s32 v1, v3;
	_ =	sdelay $0x2  }
0x166: {  	[tilespmem:s8], [sflag:$0x1] =	stream.indirect_vreg.gather [hbm4b:s3+s2], $0x80, v4, vm0, $0xb8;
	[tilespmem:$0x1A000] =	vst v63  }
0x167: {  	s11 =	simm.s32 $0x2800  }
0x168: {  	[tilespmem:s11], [sflag:$0x1] =	stream.indirect_vreg.gather [hbm4b:s3+s2], $0x80, v3, vm0, $0xb8;
	[tilespmem:$0x1A000] =	vst v63  }
0x169: {  	v3 =	vld [tilespmem:s7+$0x10];
	_ =	sdelay $0x4  }
0x16a: {  	v53 =	vshll.u32 v3, $0x1  }
0x16b: {  	v3 =	vand.u32 $0x7, v3;
	v4 =	vand.u32 $0xFFFFFFF0, v53  }
0x16c: {  	v3 =	vor.u32 v3, v4  }
0x16d: {  	v4 =	vperm.xlane v3, v0;
	_ =	sdelay $0x1  }
0x16e: {  	v3 =	vperm.xlane v3, v2;
	v4 =	vadd.s32 v1, v4;
	_ =	sdelay $0x1  }
0x16f: {  	v3 =	vadd.s32 v1, v3;
	_ =	sdelay $0x1  }
0x170: {  	s11 =	simm.s32 $0x3000  }
0x171: {  	[tilespmem:s11], [sflag:$0x1] =	stream.indirect_vreg.gather [hbm4b:s3+s2], $0x80, v4, vm0, $0xb8;
	[tilespmem:$0x1A000] =	vst v63  }
0x172: {  	s11 =	simm.s32 $0x3800  }
0x173: {  	[tilespmem:s11], [sflag:$0x1] =	stream.indirect_vreg.gather [hbm4b:s3+s2], $0x80, v3, vm0, $0xb8;
	[tilespmem:$0x1A000] =	vst v63  }
0x174: {  	v3 =	vld [tilespmem:s7+$0x20];
	_ =	sdelay $0x4  }
0x175: {  	v54 =	vshll.u32 v3, $0x1  }
0x176: {  	v3 =	vand.u32 $0x7, v3;
	v4 =	vand.u32 $0xFFFFFFF0, v54  }
0x177: {  	v3 =	vor.u32 v3, v4  }
0x178: {  	v4 =	vperm.xlane v3, v0;
	_ =	sdelay $0x1  }
0x179: {  	v3 =	vperm.xlane v3, v2;
	v4 =	vadd.s32 v1, v4;
	_ =	sdelay $0x1  }
0x17a: {  	v3 =	vadd.s32 v1, v3;
	_ =	sdelay $0x1  }
0x17b: {  	s11 =	simm.s32 $0x4000  }
0x17c: {  	[tilespmem:s11], [sflag:$0x1] =	stream.indirect_vreg.gather [hbm4b:s3+s2], $0x80, v4, vm0, $0xb8;
	[tilespmem:$0x1A000] =	vst v63  }
0x17d: {  	s11 =	simm.s32 $0x4800  }
0x17e: {  	[tilespmem:s11], [sflag:$0x1] =	stream.indirect_vreg.gather [hbm4b:s3+s2], $0x80, v3, vm0, $0xb8;
	[tilespmem:$0x1A000] =	vst v63  }
0x17f: {  	v3 =	vld [tilespmem:s7+$0x30];
	_ =	sdelay $0x4  }
0x180: {  	v55 =	vshll.u32 v3, $0x1  }
0x181: {  	v3 =	vand.u32 $0x7, v3;
	v4 =	vand.u32 $0xFFFFFFF0, v55  }
0x182: {  	v3 =	vor.u32 v3, v4  }
0x183: {  	v4 =	vperm.xlane v3, v0;
	_ =	sdelay $0x1  }
0x184: {  	v3 =	vperm.xlane v3, v2;
	v4 =	vadd.s32 v1, v4;
	_ =	sdelay $0x1  }
0x185: {  	v3 =	vadd.s32 v1, v3;
	_ =	sdelay $0x1  }
0x186: {  	s11 =	simm.s32 $0x5000  }
0x187: {  	[tilespmem:s11], [sflag:$0x1] =	stream.indirect_vreg.gather [hbm4b:s3+s2], $0x80, v4, vm0, $0xb8;
	[tilespmem:$0x1A000] =	vst v63  }
0x188: {  	s11 =	simm.s32 $0x5800  }
0x189: {  	[tilespmem:s11], [sflag:$0x1] =	stream.indirect_vreg.gather [hbm4b:s3+s2], $0x80, v3, vm0, $0xb8;
	[tilespmem:$0x1A000] =	vst v63  }
0x18a: {  	v3 =	vld [tilespmem:s7+$0x80];
	_ =	sdelay $0x4  }
0x18b: {  	v56 =	vshll.u32 v3, $0x1  }
0x18c: {  	v3 =	vand.u32 $0x7, v3;
	v4 =	vand.u32 $0xFFFFFFF0, v56  }
0x18d: {  	v3 =	vor.u32 v3, v4  }
0x18e: {  	v4 =	vperm.xlane v3, v0;
	_ =	sdelay $0x1  }
0x18f: {  	v3 =	vperm.xlane v3, v2;
	v4 =	vadd.s32 v1, v4;
	_ =	sdelay $0x1  }
0x190: {  	v3 =	vadd.s32 v1, v3;
	_ =	sdelay $0x2  }
0x191: {  	[tilespmem:s16], [sflag:$0x1] =	stream.indirect_vreg.gather [hbm4b:s3+s2], $0x80, v4, vm0, $0xb8;
	[tilespmem:$0x1A000] =	vst v63  }
0x192: {  	s11 =	simm.s32 $0x6800  }
0x193: {  	[tilespmem:s11], [sflag:$0x1] =	stream.indirect_vreg.gather [hbm4b:s3+s2], $0x80, v3, vm0, $0xb8;
	[tilespmem:$0x1A000] =	vst v63  }
0x194: {  	v3 =	vld [tilespmem:s7+$0x90];
	_ =	sdelay $0x4  }
0x195: {  	v57 =	vshll.u32 v3, $0x1  }
0x196: {  	v3 =	vand.u32 $0x7, v3;
	v4 =	vand.u32 $0xFFFFFFF0, v57  }
0x197: {  	v3 =	vor.u32 v3, v4  }
0x198: {  	v4 =	vperm.xlane v3, v0;
	_ =	sdelay $0x1  }
0x199: {  	v3 =	vperm.xlane v3, v2;
	v4 =	vadd.s32 v1, v4;
	_ =	sdelay $0x1  }
0x19a: {  	v3 =	vadd.s32 v1, v3;
	_ =	sdelay $0x1  }
0x19b: {  	s11 =	simm.s32 $0x7000  }
0x19c: {  	[tilespmem:s11], [sflag:$0x1] =	stream.indirect_vreg.gather [hbm4b:s3+s2], $0x80, v4, vm0, $0xb8;
	[tilespmem:$0x1A000] =	vst v63  }
0x19d: {  	s11 =	simm.s32 $0x7800  }
0x19e: {  	[tilespmem:s11], [sflag:$0x1] =	stream.indirect_vreg.gather [hbm4b:s3+s2], $0x80, v3, vm0, $0xb8;
	[tilespmem:$0x1A000] =	vst v63  }
0x19f: {  	v3 =	vld [tilespmem:s7+$0xA0];
	_ =	sdelay $0x4  }
0x1a0: {  	v58 =	vshll.u32 v3, $0x1  }
0x1a1: {  	v3 =	vand.u32 $0x7, v3;
	v4 =	vand.u32 $0xFFFFFFF0, v58  }
0x1a2: {  	v3 =	vor.u32 v3, v4  }
0x1a3: {  	v4 =	vperm.xlane v3, v0;
	_ =	sdelay $0x1  }
0x1a4: {  	v3 =	vperm.xlane v3, v2;
	v4 =	vadd.s32 v1, v4;
	_ =	sdelay $0x1  }
0x1a5: {  	v3 =	vadd.s32 v1, v3;
	_ =	sdelay $0x1  }
0x1a6: {  	s11 =	simm.s32 $0x8000  }
0x1a7: {  	[tilespmem:s11], [sflag:$0x1] =	stream.indirect_vreg.gather [hbm4b:s3+s2], $0x80, v4, vm0, $0xb8;
	[tilespmem:$0x1A000] =	vst v63  }
0x1a8: {  	s11 =	simm.s32 $0x8800  }
0x1a9: {  	[tilespmem:s11], [sflag:$0x1] =	stream.indirect_vreg.gather [hbm4b:s3+s2], $0x80, v3, vm0, $0xb8;
	[tilespmem:$0x1A000] =	vst v63  }
0x1aa: {  	v3 =	vld [tilespmem:s7+$0xB0];
	_ =	sdelay $0x4  }
0x1ab: {  	v59 =	vshll.u32 v3, $0x1  }
0x1ac: {  	v3 =	vand.u32 $0x7, v3;
	v4 =	vand.u32 $0xFFFFFFF0, v59  }
0x1ad: {  	v3 =	vor.u32 v3, v4  }
0x1ae: {  	v4 =	vperm.xlane v3, v0;
	_ =	sdelay $0x1  }
0x1af: {  	v3 =	vperm.xlane v3, v2;
	v4 =	vadd.s32 v1, v4;
	_ =	sdelay $0x1  }
0x1b0: {  	v3 =	vadd.s32 v1, v3;
	_ =	sdelay $0x1  }
0x1b1: {  	s11 =	simm.s32 $0x9000  }
0x1b2: {  	[tilespmem:s11], [sflag:$0x1] =	stream.indirect_vreg.gather [hbm4b:s3+s2], $0x80, v4, vm0, $0xb8;
	[tilespmem:$0x1A000] =	vst v63  }
0x1b3: {  	s11 =	simm.s32 $0x9800  }
0x1b4: {  	[tilespmem:s11], [sflag:$0x1] =	stream.indirect_vreg.gather [hbm4b:s3+s2], $0x80, v3, vm0, $0xb8;
	[tilespmem:$0x1A000] =	vst v63  }
0x1b5: {  	v3 =	vld [tilespmem:s7+$0x100];
	_ =	sdelay $0x4  }
0x1b6: {  	v60 =	vshll.u32 v3, $0x1  }
0x1b7: {  	v3 =	vand.u32 $0x7, v3;
	v4 =	vand.u32 $0xFFFFFFF0, v60  }
0x1b8: {  	v3 =	vor.u32 v3, v4  }
0x1b9: {  	v4 =	vperm.xlane v3, v0;
	_ =	sdelay $0x1  }
0x1ba: {  	v3 =	vperm.xlane v3, v2;
	v4 =	vadd.s32 v1, v4;
	_ =	sdelay $0x1  }
0x1bb: {  	v3 =	vadd.s32 v1, v3;
	_ =	sdelay $0x2  }
0x1bc: {  	[tilespmem:s24], [sflag:$0x1] =	stream.indirect_vreg.gather [hbm4b:s3+s2], $0x80, v4, vm0, $0xb8;
	[tilespmem:$0x1A000] =	vst v63  }
0x1bd: {  	s11 =	simm.s32 $0xA800  }
0x1be: {  	[tilespmem:s11], [sflag:$0x1] =	stream.indirect_vreg.gather [hbm4b:s3+s2], $0x80, v3, vm0, $0xb8;
	[tilespmem:$0x1A000] =	vst v63  }
0x1bf: {  	v3 =	vld [tilespmem:s7+$0x110];
	_ =	sdelay $0x4  }
0x1c0: {  	v61 =	vshll.u32 v3, $0x1  }
0x1c1: {  	v3 =	vand.u32 $0x7, v3;
	v4 =	vand.u32 $0xFFFFFFF0, v61  }
0x1c2: {  	v3 =	vor.u32 v3, v4  }
0x1c3: {  	v4 =	vperm.xlane v3, v0;
	_ =	sdelay $0x1  }
0x1c4: {  	v3 =	vperm.xlane v3, v2;
	v4 =	vadd.s32 v1, v4;
	_ =	sdelay $0x1  }
0x1c5: {  	v3 =	vadd.s32 v1, v3;
	_ =	sdelay $0x1  }
0x1c6: {  	s11 =	simm.s32 $0xB000  }
0x1c7: {  	[tilespmem:s11], [sflag:$0x1] =	stream.indirect_vreg.gather [hbm4b:s3+s2], $0x80, v4, vm0, $0xb8;
	[tilespmem:$0x1A000] =	vst v63  }
0x1c8: {  	s11 =	simm.s32 $0xB800  }
0x1c9: {  	[tilespmem:s11], [sflag:$0x1] =	stream.indirect_vreg.gather [hbm4b:s3+s2], $0x80, v3, vm0, $0xb8;
	[tilespmem:$0x1A000] =	vst v63  }
0x1ca: {  	v3 =	vld [tilespmem:s7+$0x120];
	_ =	sdelay $0x4  }
0x1cb: {  	v62 =	vshll.u32 v3, $0x1  }
0x1cc: {  	v3 =	vand.u32 $0x7, v3;
	v4 =	vand.u32 $0xFFFFFFF0, v62  }
0x1cd: {  	v3 =	vor.u32 v3, v4  }
0x1ce: {  	v4 =	vperm.xlane v3, v0;
	_ =	sdelay $0x1  }
0x1cf: {  	v3 =	vperm.xlane v3, v2;
	v4 =	vadd.s32 v1, v4;
	_ =	sdelay $0x1  }
0x1d0: {  	v3 =	vadd.s32 v1, v3;
	_ =	sdelay $0x1  }
0x1d1: {  	s11 =	simm.s32 $0xC000  }
0x1d2: {  	[tilespmem:s11], [sflag:$0x1] =	stream.indirect_vreg.gather [hbm4b:s3+s2], $0x80, v4, vm0, $0xb8;
	[tilespmem:$0x1A000] =	vst v63  }
0x1d3: {  	s11 =	simm.s32 $0xC800  }
0x1d4: {  	[tilespmem:s11], [sflag:$0x1] =	stream.indirect_vreg.gather [hbm4b:s3+s2], $0x80, v3, vm0, $0xb8;
	[tilespmem:$0x1A000] =	vst v63  }
0x1d5: {  	v3 =	vld [tilespmem:s7+$0x130];
	_ =	sdelay $0x4  }
0x1d6: {  	v63 =	vshll.u32 v3, $0x1  }
0x1d7: {  	v3 =	vand.u32 $0x7, v3;
	v4 =	vand.u32 $0xFFFFFFF0, v63  }
0x1d8: {  	v3 =	vor.u32 v3, v4  }
0x1d9: {  	v4 =	vperm.xlane v3, v0;
	_ =	sdelay $0x1  }
0x1da: {  	v3 =	vperm.xlane v3, v2;
	v4 =	vadd.s32 v1, v4;
	_ =	sdelay $0x1  }
0x1db: {  	v3 =	vadd.s32 v1, v3  }
.Ltmp5:
0x1dc: {  	_ = 	snop;
	(pc) =	sbr.rel .LBB2_4-.Ltmp5, $4  }
0x1dd: {  	s11 =	simm.s32 $0xD000  }
0x1de: {  	[tilespmem:s11], [sflag:$0x1] =	stream.indirect_vreg.gather [hbm4b:s3+s2], $0x80, v4, vm0, $0xb8;
	[tilespmem:$0x1A000] =	vst v63  }
0x1df: {  	s11 =	simm.s32 $0xD800  }
0x1e0: {  	[tilespmem:s11], [sflag:$0x1] =	stream.indirect_vreg.gather [hbm4b:s3+s2], $0x80, v3, vm0, $0xb8;
	[tilespmem:$0x1A000] =	vst v63  }
.LBB2_6:
0x1e1: {  	_ =	sfence.sel $0x180000  }
0x1e2: {  	[bflag:$0x0] =	sbarrier.arrive $0xFFFF  }
0x1e3: {  	_ =	strace $0x90000047  }
0x1e4: {  	s0 =	stileid.u32;
	[bflag:$0x2] =	sbarrier.arrive $0xFFFF  }
0x1e5: {  	p0 =	sne.s32 s0, $0x0;
	s0 =	rddreg [dreg:$0x1]  }
0x1e6: {  	s0 =	sadd.s32 @!p0 $0x100000, s0  }
0x1e7: {  	[sflag:s0] =	ssyncadd.tile.s32 @!p0 $0x1;
	_ =	shalt  }
.Lfunc_end2:
_tile_overlayer_lowered:
.L_overlay_start_2:
0x1e8: {  	(tag) =	ssettag $0x2  }
0x1e9: {  	s0 =	rddreg [dreg:$0x0];
	s2 =	stileid.u32  }
0x1ea: {  	s1 =	rddreg [dreg:$0x1];
	p0 =	sne.s32 s2, $0x0  }
0x1eb: {  	s3 =	rddreg [dreg:$0x2];
	[bflag:$0x3] =	sbarrier.arrive $0xFFFF;
	s2 =	simm.s32 @!p0 $0x1C05  }
0x1ec: {  	[timem:s3], [sflag:s2] =	dma.local @!p0 [hbm:s0], s1  }
0x1ed: {  	s0 =	simm.s32 @!p0 $0x5  }
0x1ee: {  	_ =	swait.ge @!p0 [sflag:s0], s1  }
0x1ef: {  	s1 =	ssub.s32 @!p0 $0x0, s1;
	[sflag:s0] =	ssyncset.done @!p0 $0x0  }
0x1f0: {  	[sflag:s0] =	ssyncadd.s32 @!p0 s1  }
0x1f1: {  	[bflag:$0x3] =	sbarrier.arrive $0xFFFF  }
0x1f2: {  	_ =	shalt  }

</sc_bundles>
